<compile_context>
chip_gen: v7x
topology: tpu7x:2x2x1
jax: 0.10.2.dev20260603
libtpu: 0.0.44.dev20260713+nightly
codegen_flags: <defaults>
</compile_context>

<pallas_src>
import functools

import jax
import jax.numpy as jnp
from jax import lax
from jax.experimental import pallas as pl
from jax.experimental.pallas import tpu as pltpu
from jax.experimental.pallas import tpu_sc as plsc

N = 10000
E = 320000
D = 128
DOUT = 64
G = 64
NP = 10240
BLK = 512
NBLK = NP // BLK
CHUNK = 128

NC = 2
NS = 16
NW = NC * NS
EPW_CHUNKS = -(-E // (NW * CHUNK))
EPW = EPW_CHUNKS * CHUNK
EPAD = EPW * NW
RPS = NP // NS


def _edge_agg(table, src, dst, zeros):
  mesh = plsc.VectorSubcoreMesh(core_axis_name="c", subcore_axis_name="s")

  @functools.partial(
      pl.kernel,
      mesh=mesh,
      out_type=jax.ShapeDtypeStruct((NC, NP, D), jnp.float32),
      scratch_types=[
          pltpu.VMEM((CHUNK,), jnp.int32),
          pltpu.VMEM((CHUNK,), jnp.int32),
          pltpu.VMEM((CHUNK, D), jnp.float32),
          pltpu.VMEM_SHARED((NP, D), jnp.float32),
          pltpu.SemaphoreType.DMA,
      ],
  )
  def agg(table_h, src_h, dst_h, zeros_h, out_h, src_v, dst_v, rows_v, acc,
          sem):
    c = lax.axis_index("c")
    s = lax.axis_index("s")
    wid = s * NC + c
    zbase = s * RPS
    pltpu.sync_copy(zeros_h.at[pl.ds(zbase, RPS)], acc.at[pl.ds(zbase, RPS)])
    plsc.subcore_barrier()

    def body(k, carry):
      pltpu.sync_copy(src_h.at[wid, k], src_v)
      pltpu.sync_copy(dst_h.at[wid, k], dst_v)
      pltpu.async_copy(table_h.at[src_v], rows_v, sem).wait()
      pltpu.sync_copy(rows_v, acc.at[dst_v], add=True)
      return carry

    lax.fori_loop(0, EPW_CHUNKS, body, 0)
    plsc.subcore_barrier()
    pltpu.sync_copy(acc.at[pl.ds(zbase, RPS)], out_h.at[c, pl.ds(zbase, RPS)])

  return agg(table, src, dst, zeros)


def _mm2(x, Wn, Wr, b):

  def body(x_ref, wn_ref, wr_ref, b_ref, xn_ref, xr_ref):
    xb = x_ref[...]
    xn_ref[...] = jnp.dot(xb, wn_ref[...], preferred_element_type=jnp.float32)
    xr_ref[...] = (
        jnp.dot(xb, wr_ref[...], preferred_element_type=jnp.float32)
        + b_ref[...])

  return pl.pallas_call(
      body,
      grid=(NBLK,),
      in_specs=[
          pl.BlockSpec((BLK, D), lambda i: (i, 0)),
          pl.BlockSpec((D, D), lambda i: (0, 0)),
          pl.BlockSpec((D, D), lambda i: (0, 0)),
          pl.BlockSpec((1, D), lambda i: (0, 0)),
      ],
      out_specs=[
          pl.BlockSpec((BLK, D), lambda i: (i, 0)),
          pl.BlockSpec((BLK, D), lambda i: (i, 0)),
      ],
      out_shape=[
          jax.ShapeDtypeStruct((NP, D), jnp.float32),
          jax.ShapeDtypeStruct((NP, D), jnp.float32),
      ],
  )(x, Wn, Wr, b.reshape(1, D))


def _combine_mm2(p0, p1, xr, Wn, Wr, b):

  def body(p0_ref, p1_ref, xr_ref, wn_ref, wr_ref, b_ref, xn_ref, xr2_ref):
    i = pl.program_id(0)
    h = jnp.maximum(p0_ref[...] + p1_ref[...] + xr_ref[...], 0.0)
    rows = i * BLK + lax.broadcasted_iota(jnp.int32, (BLK, D), 0)
    h = jnp.where(rows < N, h, 0.0)
    xn_ref[...] = jnp.dot(h, wn_ref[...], preferred_element_type=jnp.float32)
    xr2_ref[...] = (
        jnp.dot(h, wr_ref[...], preferred_element_type=jnp.float32)
        + b_ref[...])

  return pl.pallas_call(
      body,
      grid=(NBLK,),
      in_specs=[
          pl.BlockSpec((BLK, D), lambda i: (i, 0)),
          pl.BlockSpec((BLK, D), lambda i: (i, 0)),
          pl.BlockSpec((BLK, D), lambda i: (i, 0)),
          pl.BlockSpec((D, D), lambda i: (0, 0)),
          pl.BlockSpec((D, D), lambda i: (0, 0)),
          pl.BlockSpec((1, D), lambda i: (0, 0)),
      ],
      out_specs=[
          pl.BlockSpec((BLK, D), lambda i: (i, 0)),
          pl.BlockSpec((BLK, D), lambda i: (i, 0)),
      ],
      out_shape=[
          jax.ShapeDtypeStruct((NP, D), jnp.float32),
          jax.ShapeDtypeStruct((NP, D), jnp.float32),
      ],
  )(p0, p1, xr, Wn, Wr, b.reshape(1, D))


def _pool_head(p0, p1, xr, batch3d, W3, b3):

  def body(p0_ref, p1_ref, xr_ref, bat_ref, w3_ref, b3_ref, out_ref, acc_ref):
    i = pl.program_id(0)

    @pl.when(i == 0)
    def _():
      acc_ref[...] = jnp.zeros_like(acc_ref)

    h = jnp.maximum(p0_ref[...] + p1_ref[...] + xr_ref[...], 0.0)
    ids = bat_ref[...].reshape(1, BLK)
    onehot = (lax.broadcasted_iota(jnp.int32, (G, BLK), 0)
              == jnp.broadcast_to(ids, (G, BLK))).astype(jnp.float32)
    acc_ref[...] += jnp.dot(onehot, h, preferred_element_type=jnp.float32)

    @pl.when(i == NBLK - 1)
    def _():
      out_ref[...] = (
          jnp.dot(acc_ref[...], w3_ref[...],
                  preferred_element_type=jnp.float32) + b3_ref[...])

  return pl.pallas_call(
      body,
      grid=(NBLK,),
      in_specs=[
          pl.BlockSpec((BLK, D), lambda i: (i, 0)),
          pl.BlockSpec((BLK, D), lambda i: (i, 0)),
          pl.BlockSpec((BLK, D), lambda i: (i, 0)),
          pl.BlockSpec((1, 1, BLK), lambda i: (i, 0, 0)),
          pl.BlockSpec((D, DOUT), lambda i: (0, 0)),
          pl.BlockSpec((1, DOUT), lambda i: (0, 0)),
      ],
      out_specs=pl.BlockSpec((G, DOUT), lambda i: (0, 0)),
      out_shape=jax.ShapeDtypeStruct((G, DOUT), jnp.float32),
      scratch_shapes=[pltpu.VMEM((G, D), jnp.float32)],
  )(p0, p1, xr, batch3d, W3, b3.reshape(1, DOUT))


def kernel(x, edge_index, batch, Wn1, Wr1, b1, Wn2, Wr2, b2, W3, b3):
  x_pad = jnp.pad(x, ((0, NP - N), (0, 0)))
  fill = jnp.full((EPAD - E,), NP - 1, jnp.int32)
  src_p = jnp.concatenate([edge_index[0], fill]).reshape(NW, EPW_CHUNKS, CHUNK)
  dst_p = jnp.concatenate([edge_index[1], fill]).reshape(NW, EPW_CHUNKS, CHUNK)
  batch3d = jnp.pad(batch, (0, NP - N),
                    constant_values=G).reshape(NBLK, 1, BLK)
  zeros = jnp.zeros((NP, D), jnp.float32)

  xn1, xr1 = _mm2(x_pad, Wn1, Wr1, b1)
  p = _edge_agg(xn1, src_p, dst_p, zeros)
  xn2, xr2 = _combine_mm2(p[0], p[1], xr1, Wn2, Wr2, b2)
  p2 = _edge_agg(xn2, src_p, dst_p, zeros)
  return _pool_head(p2[0], p2[1], xr2, batch3d, W3, b3)

# --- scband reference (transcript-rebuilt; emitter-appended) ---
"""Pipeline reference for scband-gnnmodel-40767829573778 (READ-ONLY COPY).

The authoritative reference and input builder live on the scoring server;
editing this copy changes nothing except your own understanding.
"""

import jax, jax.numpy as jnp
import numpy as np

N = 10000
E = 320000
D_IN = 128
H = 128
D_OUT = 64
N_GRAPHS = 64


def setup_inputs(seed: int = 0) -> dict:
    key = jax.random.key(seed)
    ks = jax.random.split(key, 12)
    x = jax.random.normal(ks[0], (N, D_IN), dtype=jnp.float32)
    edge_index = jax.random.randint(ks[1], (2, E), 0, N, dtype=jnp.int32)
    batch = jnp.sort(jax.random.randint(ks[2], (N,), 0, N_GRAPHS, dtype=jnp.int32))
    s_in = 1.0 / np.sqrt(D_IN)
    s_h = 1.0 / np.sqrt(H)
    Wn1 = jax.random.normal(ks[3], (D_IN, H), dtype=jnp.float32) * s_in
    Wr1 = jax.random.normal(ks[4], (D_IN, H), dtype=jnp.float32) * s_in
    b1 = jnp.zeros((H,), dtype=jnp.float32)
    Wn2 = jax.random.normal(ks[5], (H, H), dtype=jnp.float32) * s_h
    Wr2 = jax.random.normal(ks[6], (H, H), dtype=jnp.float32) * s_h
    b2 = jnp.zeros((H,), dtype=jnp.float32)
    W3 = jax.random.normal(ks[7], (H, D_OUT), dtype=jnp.float32) * s_h
    b3 = jnp.zeros((D_OUT,), dtype=jnp.float32)
    return {"x": x, "edge_index": edge_index, "batch": batch,
            "Wn1": Wn1, "Wr1": Wr1, "b1": b1,
            "Wn2": Wn2, "Wr2": Wr2, "b2": b2,
            "W3": W3, "b3": b3}


def sage_conv(x, edge_index, Wn, Wr, b):
    # PyG SAGEConv with aggr='add': out = lin_l(sum_{j in N(i)} x_j) + lin_r(x_i)
    src = edge_index[0]
    dst = edge_index[1]
    msgs = x[src]  # gather (SparseCore-friendly)
    agg = jax.ops.segment_sum(msgs, dst, num_segments=x.shape[0])  # scatter-add
    return agg @ Wn + x @ Wr + b


def reference(x, edge_index, batch, Wn1, Wr1, b1, Wn2, Wr2, b2, W3, b3):
    # layers[:-2] loop: conv1 + relu
    h = jax.nn.relu(sage_conv(x, edge_index, Wn1, Wr1, b1))
    # layers[-2]: conv2 + relu
    h = jax.nn.relu(sage_conv(h, edge_index, Wn2, Wr2, b2))
    # global_add_pool over batch assignment
    pooled = jax.ops.segment_sum(h, batch, num_segments=N_GRAPHS)
    # dropout is identity in eval mode (training=False)
    out = pooled @ W3 + b3
    return out

if __name__ == "__main__":
    import jax
    _d = setup_inputs()
    print(jax.jit(kernel)(*tuple(_d.values())))

</pallas_src>

<mosaic_0001>
#map = affine_map<(d0, d1) -> (0, 0)>
#map1 = affine_map<(d0, d1) -> (0, 0, 0)>
module attributes {stable_mosaic.version = 14 : i64} {
  func.func @agg(%arg0: i32, %arg1: i32, %arg2: memref<10240x128xf32, #tpu.memory_space<hbm>>, %arg3: memref<32x79x128xi32, #tpu.memory_space<hbm>>, %arg4: memref<32x79x128xi32, #tpu.memory_space<hbm>>, %arg5: memref<10240x128xf32, #tpu.memory_space<hbm>>, %arg6: memref<2x10240x128xf32, #tpu.memory_space<hbm>>, %arg7: memref<128xi32, #tpu.memory_space<vmem>>, %arg8: memref<128xi32, #tpu.memory_space<vmem>>, %arg9: memref<128x128xf32, #tpu.memory_space<vmem>>, %arg10: memref<10240x128xf32, #tpu.memory_space<vmem_shared>>, %arg11: memref<!tpu.dma_semaphore, #tpu.memory_space<semaphore_mem>>) attributes {dimension_semantics = [#tpu.dimension_semantics<core_parallel>, #tpu.dimension_semantics<subcore_parallel>], iteration_bounds = array<i64: 2, 16>, scalar_prefetch = 0 : i64, scratch_operands = 5 : i64, tpu.core_type = #tpu.core_type<sc_vector_subcore>, window_params = [{transform_indices = #map}, {transform_indices = #map1}, {transform_indices = #map1}, {transform_indices = #map}, {transform_indices = #map1}]} {
    %mul3A = arith.constant 2 : i32
    %mul3A_0 = arith.muli %arg1, %mul3A : i32
    %add3A = arith.addi %mul3A_0, %arg0 : i32
    %mul3A_1 = arith.constant 640 : i32
    %mul3A_2 = arith.muli %arg1, %mul3A_1 : i32
    "tpu.region"() ({
      %run_scoped3A = tpu.sem_alloc : memref<!tpu.dma_semaphore, #tpu.memory_space<semaphore_mem>>
      %dma_start3A = arith.constant 0 : i32
      %dma_start3A_9 = tpu.memref_slice %arg10[%mul3A_2, %dma_start3A] : memref<10240x128xf32, #tpu.memory_space<vmem_shared>> -> memref<640x128xf32, #tpu.memory_space<vmem_shared>>
      %dma_start3A_10 = arith.constant 0 : i32
      %dma_start3A_11 = tpu.memref_slice %arg5[%mul3A_2, %dma_start3A_10] : memref<10240x128xf32, #tpu.memory_space<hbm>> -> memref<640x128xf32, #tpu.memory_space<hbm>>
      tpu.enqueue_dma source(%dma_start3A_11 : memref<640x128xf32, #tpu.memory_space<hbm>>) target(%dma_start3A_9 : memref<640x128xf32, #tpu.memory_space<vmem_shared>>) target_semaphore(%run_scoped3A : memref<!tpu.dma_semaphore, #tpu.memory_space<semaphore_mem>>)
      %dma_wait3A = arith.constant 0 : i32
      %dma_wait3A_12 = tpu.memref_slice %arg10[%mul3A_2, %dma_wait3A] : memref<10240x128xf32, #tpu.memory_space<vmem_shared>> -> memref<640x128xf32, #tpu.memory_space<vmem_shared>>
      %dma_wait3A_13 = arith.constant 0 : i32
      %dma_wait3A_14 = tpu.memref_slice %arg5[%mul3A_2, %dma_wait3A_13] : memref<10240x128xf32, #tpu.memory_space<hbm>> -> memref<640x128xf32, #tpu.memory_space<hbm>>
      tpu.wait_dma2 semaphore(%run_scoped3A : memref<!tpu.dma_semaphore, #tpu.memory_space<semaphore_mem>>) src(%dma_wait3A_14 : memref<640x128xf32, #tpu.memory_space<hbm>>) dst(%dma_wait3A_12 : memref<640x128xf32, #tpu.memory_space<vmem_shared>>)
      tpu.yield
    }) : () -> ()
    %barrier3A = arith.constant 0 : index
    tpu.barrier barrier_id(%barrier3A)
    %scan3A = arith.constant 0 : i32
    %scan3A_3 = arith.constant 0 : i32
    %scan3A_4 = arith.constant 79 : i32
    %scan3A_5 = arith.addi %scan3A_3, %scan3A_4 : i32
    %scan3A_6 = arith.constant 1 : i32
    scf.for %scan3A_9 = %scan3A_3 to %scan3A_5 step %scan3A_6  : i32 {
      "tpu.region"() ({
        %run_scoped3A = tpu.sem_alloc : memref<!tpu.dma_semaphore, #tpu.memory_space<semaphore_mem>>
        %dma_start3A_14 = arith.constant 0 : i32
        %dma_start3A_15 = tpu.memref_slice %arg3[%add3A, %scan3A_9, %dma_start3A_14] : memref<32x79x128xi32, #tpu.memory_space<hbm>> -> memref<1x1x128xi32, #tpu.memory_space<hbm>>
        %dma_start3A_16 = tpu.memref_squeeze %dma_start3A_15 : memref<1x1x128xi32, #tpu.memory_space<hbm>> -> memref<128xi32, #tpu.memory_space<hbm>>
        %dma_start3A_17 = arith.constant 0 : i32
        %dma_start3A_18 = tpu.memref_slice %arg3[%add3A, %scan3A_9, %dma_start3A_17] : memref<32x79x128xi32, #tpu.memory_space<hbm>> -> memref<1x1x128xi32, #tpu.memory_space<hbm>>
        %dma_start3A_19 = tpu.memref_squeeze %dma_start3A_18 : memref<1x1x128xi32, #tpu.memory_space<hbm>> -> memref<128xi32, #tpu.memory_space<hbm>>
        tpu.enqueue_dma source(%dma_start3A_19 : memref<128xi32, #tpu.memory_space<hbm>>) target(%arg7 : memref<128xi32, #tpu.memory_space<vmem>>) target_semaphore(%run_scoped3A : memref<!tpu.dma_semaphore, #tpu.memory_space<semaphore_mem>>)
        %dma_wait3A_20 = arith.constant 0 : i32
        %dma_wait3A_21 = tpu.memref_slice %arg3[%add3A, %scan3A_9, %dma_wait3A_20] : memref<32x79x128xi32, #tpu.memory_space<hbm>> -> memref<1x1x128xi32, #tpu.memory_space<hbm>>
        %dma_wait3A_22 = tpu.memref_squeeze %dma_wait3A_21 : memref<1x1x128xi32, #tpu.memory_space<hbm>> -> memref<128xi32, #tpu.memory_space<hbm>>
        %dma_wait3A_23 = arith.constant 0 : i32
        %dma_wait3A_24 = tpu.memref_slice %arg3[%add3A, %scan3A_9, %dma_wait3A_23] : memref<32x79x128xi32, #tpu.memory_space<hbm>> -> memref<1x1x128xi32, #tpu.memory_space<hbm>>
        %dma_wait3A_25 = tpu.memref_squeeze %dma_wait3A_24 : memref<1x1x128xi32, #tpu.memory_space<hbm>> -> memref<128xi32, #tpu.memory_space<hbm>>
        tpu.wait_dma2 semaphore(%run_scoped3A : memref<!tpu.dma_semaphore, #tpu.memory_space<semaphore_mem>>) src(%dma_wait3A_25 : memref<128xi32, #tpu.memory_space<hbm>>) dst(%arg7 : memref<128xi32, #tpu.memory_space<vmem>>)
        tpu.yield
      }) : () -> ()
      "tpu.region"() ({
        %run_scoped3A = tpu.sem_alloc : memref<!tpu.dma_semaphore, #tpu.memory_space<semaphore_mem>>
        %dma_start3A_14 = arith.constant 0 : i32
        %dma_start3A_15 = tpu.memref_slice %arg4[%add3A, %scan3A_9, %dma_start3A_14] : memref<32x79x128xi32, #tpu.memory_space<hbm>> -> memref<1x1x128xi32, #tpu.memory_space<hbm>>
        %dma_start3A_16 = tpu.memref_squeeze %dma_start3A_15 : memref<1x1x128xi32, #tpu.memory_space<hbm>> -> memref<128xi32, #tpu.memory_space<hbm>>
        %dma_start3A_17 = arith.constant 0 : i32
        %dma_start3A_18 = tpu.memref_slice %arg4[%add3A, %scan3A_9, %dma_start3A_17] : memref<32x79x128xi32, #tpu.memory_space<hbm>> -> memref<1x1x128xi32, #tpu.memory_space<hbm>>
        %dma_start3A_19 = tpu.memref_squeeze %dma_start3A_18 : memref<1x1x128xi32, #tpu.memory_space<hbm>> -> memref<128xi32, #tpu.memory_space<hbm>>
        tpu.enqueue_dma source(%dma_start3A_19 : memref<128xi32, #tpu.memory_space<hbm>>) target(%arg8 : memref<128xi32, #tpu.memory_space<vmem>>) target_semaphore(%run_scoped3A : memref<!tpu.dma_semaphore, #tpu.memory_space<semaphore_mem>>)
        %dma_wait3A_20 = arith.constant 0 : i32
        %dma_wait3A_21 = tpu.memref_slice %arg4[%add3A, %scan3A_9, %dma_wait3A_20] : memref<32x79x128xi32, #tpu.memory_space<hbm>> -> memref<1x1x128xi32, #tpu.memory_space<hbm>>
        %dma_wait3A_22 = tpu.memref_squeeze %dma_wait3A_21 : memref<1x1x128xi32, #tpu.memory_space<hbm>> -> memref<128xi32, #tpu.memory_space<hbm>>
        %dma_wait3A_23 = arith.constant 0 : i32
        %dma_wait3A_24 = tpu.memref_slice %arg4[%add3A, %scan3A_9, %dma_wait3A_23] : memref<32x79x128xi32, #tpu.memory_space<hbm>> -> memref<1x1x128xi32, #tpu.memory_space<hbm>>
        %dma_wait3A_25 = tpu.memref_squeeze %dma_wait3A_24 : memref<1x1x128xi32, #tpu.memory_space<hbm>> -> memref<128xi32, #tpu.memory_space<hbm>>
        tpu.wait_dma2 semaphore(%run_scoped3A : memref<!tpu.dma_semaphore, #tpu.memory_space<semaphore_mem>>) src(%dma_wait3A_25 : memref<128xi32, #tpu.memory_space<hbm>>) dst(%arg8 : memref<128xi32, #tpu.memory_space<vmem>>)
        tpu.yield
      }) : () -> ()
      %dma_start3A = arith.constant 0 : i32
      %dma_start3A_10 = arith.constant 0 : i32
      %dma_start3A_11 = tpu.memref_slice %arg2[%dma_start3A, %dma_start3A_10] : memref<10240x128xf32, #tpu.memory_space<hbm>> -> memref<10240x128xf32, #tpu.memory_space<hbm>>
      tpu.enqueue_indirect_dma source(%dma_start3A_11 : memref<10240x128xf32, #tpu.memory_space<hbm>>) target(%arg9 : memref<128x128xf32, #tpu.memory_space<vmem>>) offsets(%arg7 : memref<128xi32, #tpu.memory_space<vmem>>) semaphore(%arg11 : memref<!tpu.dma_semaphore, #tpu.memory_space<semaphore_mem>>)
      %dma_wait3A = arith.constant 0 : i32
      %dma_wait3A_12 = arith.constant 0 : i32
      %dma_wait3A_13 = tpu.memref_slice %arg2[%dma_wait3A, %dma_wait3A_12] : memref<10240x128xf32, #tpu.memory_space<hbm>> -> memref<10240x128xf32, #tpu.memory_space<hbm>>
      tpu.wait_indirect_dma semaphore(%arg11 : memref<!tpu.dma_semaphore, #tpu.memory_space<semaphore_mem>>) src(%dma_wait3A_13 : memref<10240x128xf32, #tpu.memory_space<hbm>>) dst(%arg9 : memref<128x128xf32, #tpu.memory_space<vmem>>)
      "tpu.region"() ({
        %run_scoped3A = tpu.sem_alloc : memref<!tpu.dma_semaphore, #tpu.memory_space<semaphore_mem>>
        %dma_start3A_14 = arith.constant 0 : i32
        %dma_start3A_15 = arith.constant 0 : i32
        %dma_start3A_16 = tpu.memref_slice %arg10[%dma_start3A_14, %dma_start3A_15] : memref<10240x128xf32, #tpu.memory_space<vmem_shared>> -> memref<10240x128xf32, #tpu.memory_space<vmem_shared>>
        tpu.enqueue_indirect_dma source(%arg9 : memref<128x128xf32, #tpu.memory_space<vmem>>) target(%dma_start3A_16 : memref<10240x128xf32, #tpu.memory_space<vmem_shared>>) offsets(%arg8 : memref<128xi32, #tpu.memory_space<vmem>>) semaphore(%run_scoped3A : memref<!tpu.dma_semaphore, #tpu.memory_space<semaphore_mem>>) {add = true}
        %dma_wait3A_17 = arith.constant 0 : i32
        %dma_wait3A_18 = arith.constant 0 : i32
        %dma_wait3A_19 = tpu.memref_slice %arg10[%dma_wait3A_17, %dma_wait3A_18] : memref<10240x128xf32, #tpu.memory_space<vmem_shared>> -> memref<10240x128xf32, #tpu.memory_space<vmem_shared>>
        tpu.wait_indirect_dma semaphore(%run_scoped3A : memref<!tpu.dma_semaphore, #tpu.memory_space<semaphore_mem>>) src(%arg9 : memref<128x128xf32, #tpu.memory_space<vmem>>) dst(%dma_wait3A_19 : memref<10240x128xf32, #tpu.memory_space<vmem_shared>>)
        tpu.yield
      }) : () -> ()
    }
    %scan3A_7 = arith.constant 79 : i32
    %barrier3A_8 = arith.constant 0 : index
    tpu.barrier barrier_id(%barrier3A_8)
    "tpu.region"() ({
      %run_scoped3A = tpu.sem_alloc : memref<!tpu.dma_semaphore, #tpu.memory_space<semaphore_mem>>
      %dma_start3A = arith.constant 0 : i32
      %dma_start3A_9 = tpu.memref_slice %arg6[%arg0, %mul3A_2, %dma_start3A] : memref<2x10240x128xf32, #tpu.memory_space<hbm>> -> memref<1x640x128xf32, #tpu.memory_space<hbm>>
      %dma_start3A_10 = tpu.memref_squeeze %dma_start3A_9 : memref<1x640x128xf32, #tpu.memory_space<hbm>> -> memref<640x128xf32, #tpu.memory_space<hbm>>
      %dma_start3A_11 = arith.constant 0 : i32
      %dma_start3A_12 = tpu.memref_slice %arg10[%mul3A_2, %dma_start3A_11] : memref<10240x128xf32, #tpu.memory_space<vmem_shared>> -> memref<640x128xf32, #tpu.memory_space<vmem_shared>>
      tpu.enqueue_dma source(%dma_start3A_12 : memref<640x128xf32, #tpu.memory_space<vmem_shared>>) target(%dma_start3A_10 : memref<640x128xf32, #tpu.memory_space<hbm>>) target_semaphore(%run_scoped3A : memref<!tpu.dma_semaphore, #tpu.memory_space<semaphore_mem>>)
      %dma_wait3A = arith.constant 0 : i32
      %dma_wait3A_13 = tpu.memref_slice %arg6[%arg0, %mul3A_2, %dma_wait3A] : memref<2x10240x128xf32, #tpu.memory_space<hbm>> -> memref<1x640x128xf32, #tpu.memory_space<hbm>>
      %dma_wait3A_14 = tpu.memref_squeeze %dma_wait3A_13 : memref<1x640x128xf32, #tpu.memory_space<hbm>> -> memref<640x128xf32, #tpu.memory_space<hbm>>
      %dma_wait3A_15 = arith.constant 0 : i32
      %dma_wait3A_16 = tpu.memref_slice %arg10[%mul3A_2, %dma_wait3A_15] : memref<10240x128xf32, #tpu.memory_space<vmem_shared>> -> memref<640x128xf32, #tpu.memory_space<vmem_shared>>
      tpu.wait_dma2 semaphore(%run_scoped3A : memref<!tpu.dma_semaphore, #tpu.memory_space<semaphore_mem>>) src(%dma_wait3A_16 : memref<640x128xf32, #tpu.memory_space<vmem_shared>>) dst(%dma_wait3A_14 : memref<640x128xf32, #tpu.memory_space<hbm>>)
      tpu.yield
    }) : () -> ()
    return
  }
}

#map = affine_map<(d0, d1) -> (0, 0)>
#map1 = affine_map<(d0, d1) -> (0, 0, 0)>
module attributes {stable_mosaic.version = 14 : i64} {
  func.func @agg(%arg0: i32, %arg1: i32, %arg2: memref<10240x128xf32, #tpu.memory_space<hbm>>, %arg3: memref<32x79x128xi32, #tpu.memory_space<hbm>>, %arg4: memref<32x79x128xi32, #tpu.memory_space<hbm>>, %arg5: memref<10240x128xf32, #tpu.memory_space<hbm>>, %arg6: memref<2x10240x128xf32, #tpu.memory_space<hbm>>, %arg7: memref<128xi32, #tpu.memory_space<vmem>>, %arg8: memref<128xi32, #tpu.memory_space<vmem>>, %arg9: memref<128x128xf32, #tpu.memory_space<vmem>>, %arg10: memref<10240x128xf32, #tpu.memory_space<vmem_shared>>, %arg11: memref<!tpu.dma_semaphore, #tpu.memory_space<semaphore_mem>>) attributes {dimension_semantics = [#tpu.dimension_semantics<core_parallel>, #tpu.dimension_semantics<subcore_parallel>], iteration_bounds = array<i64: 2, 16>, scalar_prefetch = 0 : i64, scratch_operands = 5 : i64, tpu.core_type = #tpu.core_type<sc_vector_subcore>, window_params = [{transform_indices = #map}, {transform_indices = #map1}, {transform_indices = #map1}, {transform_indices = #map}, {transform_indices = #map1}]} {
    %mul3A = arith.constant 2 : i32
    %mul3A_0 = arith.muli %arg1, %mul3A : i32
    %add3A = arith.addi %mul3A_0, %arg0 : i32
    %mul3A_1 = arith.constant 640 : i32
    %mul3A_2 = arith.muli %arg1, %mul3A_1 : i32
    "tpu.region"() ({
      %run_scoped3A = tpu.sem_alloc : memref<!tpu.dma_semaphore, #tpu.memory_space<semaphore_mem>>
      %dma_start3A = arith.constant 0 : i32
      %dma_start3A_9 = tpu.memref_slice %arg10[%mul3A_2, %dma_start3A] : memref<10240x128xf32, #tpu.memory_space<vmem_shared>> -> memref<640x128xf32, #tpu.memory_space<vmem_shared>>
      %dma_start3A_10 = arith.constant 0 : i32
      %dma_start3A_11 = tpu.memref_slice %arg5[%mul3A_2, %dma_start3A_10] : memref<10240x128xf32, #tpu.memory_space<hbm>> -> memref<640x128xf32, #tpu.memory_space<hbm>>
      tpu.enqueue_dma source(%dma_start3A_11 : memref<640x128xf32, #tpu.memory_space<hbm>>) target(%dma_start3A_9 : memref<640x128xf32, #tpu.memory_space<vmem_shared>>) target_semaphore(%run_scoped3A : memref<!tpu.dma_semaphore, #tpu.memory_space<semaphore_mem>>)
      %dma_wait3A = arith.constant 0 : i32
      %dma_wait3A_12 = tpu.memref_slice %arg10[%mul3A_2, %dma_wait3A] : memref<10240x128xf32, #tpu.memory_space<vmem_shared>> -> memref<640x128xf32, #tpu.memory_space<vmem_shared>>
      %dma_wait3A_13 = arith.constant 0 : i32
      %dma_wait3A_14 = tpu.memref_slice %arg5[%mul3A_2, %dma_wait3A_13] : memref<10240x128xf32, #tpu.memory_space<hbm>> -> memref<640x128xf32, #tpu.memory_space<hbm>>
      tpu.wait_dma2 semaphore(%run_scoped3A : memref<!tpu.dma_semaphore, #tpu.memory_space<semaphore_mem>>) src(%dma_wait3A_14 : memref<640x128xf32, #tpu.memory_space<hbm>>) dst(%dma_wait3A_12 : memref<640x128xf32, #tpu.memory_space<vmem_shared>>)
      tpu.yield
    }) : () -> ()
    %barrier3A = arith.constant 0 : index
    tpu.barrier barrier_id(%barrier3A)
    %scan3A = arith.constant 0 : i32
    %scan3A_3 = arith.constant 0 : i32
    %scan3A_4 = arith.constant 79 : i32
    %scan3A_5 = arith.addi %scan3A_3, %scan3A_4 : i32
    %scan3A_6 = arith.constant 1 : i32
    scf.for %scan3A_9 = %scan3A_3 to %scan3A_5 step %scan3A_6  : i32 {
      "tpu.region"() ({
        %run_scoped3A = tpu.sem_alloc : memref<!tpu.dma_semaphore, #tpu.memory_space<semaphore_mem>>
        %dma_start3A_14 = arith.constant 0 : i32
        %dma_start3A_15 = tpu.memref_slice %arg3[%add3A, %scan3A_9, %dma_start3A_14] : memref<32x79x128xi32, #tpu.memory_space<hbm>> -> memref<1x1x128xi32, #tpu.memory_space<hbm>>
        %dma_start3A_16 = tpu.memref_squeeze %dma_start3A_15 : memref<1x1x128xi32, #tpu.memory_space<hbm>> -> memref<128xi32, #tpu.memory_space<hbm>>
        %dma_start3A_17 = arith.constant 0 : i32
        %dma_start3A_18 = tpu.memref_slice %arg3[%add3A, %scan3A_9, %dma_start3A_17] : memref<32x79x128xi32, #tpu.memory_space<hbm>> -> memref<1x1x128xi32, #tpu.memory_space<hbm>>
        %dma_start3A_19 = tpu.memref_squeeze %dma_start3A_18 : memref<1x1x128xi32, #tpu.memory_space<hbm>> -> memref<128xi32, #tpu.memory_space<hbm>>
        tpu.enqueue_dma source(%dma_start3A_19 : memref<128xi32, #tpu.memory_space<hbm>>) target(%arg7 : memref<128xi32, #tpu.memory_space<vmem>>) target_semaphore(%run_scoped3A : memref<!tpu.dma_semaphore, #tpu.memory_space<semaphore_mem>>)
        %dma_wait3A_20 = arith.constant 0 : i32
        %dma_wait3A_21 = tpu.memref_slice %arg3[%add3A, %scan3A_9, %dma_wait3A_20] : memref<32x79x128xi32, #tpu.memory_space<hbm>> -> memref<1x1x128xi32, #tpu.memory_space<hbm>>
        %dma_wait3A_22 = tpu.memref_squeeze %dma_wait3A_21 : memref<1x1x128xi32, #tpu.memory_space<hbm>> -> memref<128xi32, #tpu.memory_space<hbm>>
        %dma_wait3A_23 = arith.constant 0 : i32
        %dma_wait3A_24 = tpu.memref_slice %arg3[%add3A, %scan3A_9, %dma_wait3A_23] : memref<32x79x128xi32, #tpu.memory_space<hbm>> -> memref<1x1x128xi32, #tpu.memory_space<hbm>>
        %dma_wait3A_25 = tpu.memref_squeeze %dma_wait3A_24 : memref<1x1x128xi32, #tpu.memory_space<hbm>> -> memref<128xi32, #tpu.memory_space<hbm>>
        tpu.wait_dma2 semaphore(%run_scoped3A : memref<!tpu.dma_semaphore, #tpu.memory_space<semaphore_mem>>) src(%dma_wait3A_25 : memref<128xi32, #tpu.memory_space<hbm>>) dst(%arg7 : memref<128xi32, #tpu.memory_space<vmem>>)
        tpu.yield
      }) : () -> ()
      "tpu.region"() ({
        %run_scoped3A = tpu.sem_alloc : memref<!tpu.dma_semaphore, #tpu.memory_space<semaphore_mem>>
        %dma_start3A_14 = arith.constant 0 : i32
        %dma_start3A_15 = tpu.memref_slice %arg4[%add3A, %scan3A_9, %dma_start3A_14] : memref<32x79x128xi32, #tpu.memory_space<hbm>> -> memref<1x1x128xi32, #tpu.memory_space<hbm>>
        %dma_start3A_16 = tpu.memref_squeeze %dma_start3A_15 : memref<1x1x128xi32, #tpu.memory_space<hbm>> -> memref<128xi32, #tpu.memory_space<hbm>>
        %dma_start3A_17 = arith.constant 0 : i32
        %dma_start3A_18 = tpu.memref_slice %arg4[%add3A, %scan3A_9, %dma_start3A_17] : memref<32x79x128xi32, #tpu.memory_space<hbm>> -> memref<1x1x128xi32, #tpu.memory_space<hbm>>
        %dma_start3A_19 = tpu.memref_squeeze %dma_start3A_18 : memref<1x1x128xi32, #tpu.memory_space<hbm>> -> memref<128xi32, #tpu.memory_space<hbm>>
        tpu.enqueue_dma source(%dma_start3A_19 : memref<128xi32, #tpu.memory_space<hbm>>) target(%arg8 : memref<128xi32, #tpu.memory_space<vmem>>) target_semaphore(%run_scoped3A : memref<!tpu.dma_semaphore, #tpu.memory_space<semaphore_mem>>)
        %dma_wait3A_20 = arith.constant 0 : i32
        %dma_wait3A_21 = tpu.memref_slice %arg4[%add3A, %scan3A_9, %dma_wait3A_20] : memref<32x79x128xi32, #tpu.memory_space<hbm>> -> memref<1x1x128xi32, #tpu.memory_space<hbm>>
        %dma_wait3A_22 = tpu.memref_squeeze %dma_wait3A_21 : memref<1x1x128xi32, #tpu.memory_space<hbm>> -> memref<128xi32, #tpu.memory_space<hbm>>
        %dma_wait3A_23 = arith.constant 0 : i32
        %dma_wait3A_24 = tpu.memref_slice %arg4[%add3A, %scan3A_9, %dma_wait3A_23] : memref<32x79x128xi32, #tpu.memory_space<hbm>> -> memref<1x1x128xi32, #tpu.memory_space<hbm>>
        %dma_wait3A_25 = tpu.memref_squeeze %dma_wait3A_24 : memref<1x1x128xi32, #tpu.memory_space<hbm>> -> memref<128xi32, #tpu.memory_space<hbm>>
        tpu.wait_dma2 semaphore(%run_scoped3A : memref<!tpu.dma_semaphore, #tpu.memory_space<semaphore_mem>>) src(%dma_wait3A_25 : memref<128xi32, #tpu.memory_space<hbm>>) dst(%arg8 : memref<128xi32, #tpu.memory_space<vmem>>)
        tpu.yield
      }) : () -> ()
      %dma_start3A = arith.constant 0 : i32
      %dma_start3A_10 = arith.constant 0 : i32
      %dma_start3A_11 = tpu.memref_slice %arg2[%dma_start3A, %dma_start3A_10] : memref<10240x128xf32, #tpu.memory_space<hbm>> -> memref<10240x128xf32, #tpu.memory_space<hbm>>
      tpu.enqueue_indirect_dma source(%dma_start3A_11 : memref<10240x128xf32, #tpu.memory_space<hbm>>) target(%arg9 : memref<128x128xf32, #tpu.memory_space<vmem>>) offsets(%arg7 : memref<128xi32, #tpu.memory_space<vmem>>) semaphore(%arg11 : memref<!tpu.dma_semaphore, #tpu.memory_space<semaphore_mem>>)
      %dma_wait3A = arith.constant 0 : i32
      %dma_wait3A_12 = arith.constant 0 : i32
      %dma_wait3A_13 = tpu.memref_slice %arg2[%dma_wait3A, %dma_wait3A_12] : memref<10240x128xf32, #tpu.memory_space<hbm>> -> memref<10240x128xf32, #tpu.memory_space<hbm>>
      tpu.wait_indirect_dma semaphore(%arg11 : memref<!tpu.dma_semaphore, #tpu.memory_space<semaphore_mem>>) src(%dma_wait3A_13 : memref<10240x128xf32, #tpu.memory_space<hbm>>) dst(%arg9 : memref<128x128xf32, #tpu.memory_space<vmem>>)
      "tpu.region"() ({
        %run_scoped3A = tpu.sem_alloc : memref<!tpu.dma_semaphore, #tpu.memory_space<semaphore_mem>>
        %dma_start3A_14 = arith.constant 0 : i32
        %dma_start3A_15 = arith.constant 0 : i32
        %dma_start3A_16 = tpu.memref_slice %arg10[%dma_start3A_14, %dma_start3A_15] : memref<10240x128xf32, #tpu.memory_space<vmem_shared>> -> memref<10240x128xf32, #tpu.memory_space<vmem_shared>>
        tpu.enqueue_indirect_dma source(%arg9 : memref<128x128xf32, #tpu.memory_space<vmem>>) target(%dma_start3A_16 : memref<10240x128xf32, #tpu.memory_space<vmem_shared>>) offsets(%arg8 : memref<128xi32, #tpu.memory_space<vmem>>) semaphore(%run_scoped3A : memref<!tpu.dma_semaphore, #tpu.memory_space<semaphore_mem>>) {add = true}
        %dma_wait3A_17 = arith.constant 0 : i32
        %dma_wait3A_18 = arith.constant 0 : i32
        %dma_wait3A_19 = tpu.memref_slice %arg10[%dma_wait3A_17, %dma_wait3A_18] : memref<10240x128xf32, #tpu.memory_space<vmem_shared>> -> memref<10240x128xf32, #tpu.memory_space<vmem_shared>>
        tpu.wait_indirect_dma semaphore(%run_scoped3A : memref<!tpu.dma_semaphore, #tpu.memory_space<semaphore_mem>>) src(%arg9 : memref<128x128xf32, #tpu.memory_space<vmem>>) dst(%dma_wait3A_19 : memref<10240x128xf32, #tpu.memory_space<vmem_shared>>)
        tpu.yield
      }) : () -> ()
    }
    %scan3A_7 = arith.constant 79 : i32
    %barrier3A_8 = arith.constant 0 : index
    tpu.barrier barrier_id(%barrier3A_8)
    "tpu.region"() ({
      %run_scoped3A = tpu.sem_alloc : memref<!tpu.dma_semaphore, #tpu.memory_space<semaphore_mem>>
      %dma_start3A = arith.constant 0 : i32
      %dma_start3A_9 = tpu.memref_slice %arg6[%arg0, %mul3A_2, %dma_start3A] : memref<2x10240x128xf32, #tpu.memory_space<hbm>> -> memref<1x640x128xf32, #tpu.memory_space<hbm>>
      %dma_start3A_10 = tpu.memref_squeeze %dma_start3A_9 : memref<1x640x128xf32, #tpu.memory_space<hbm>> -> memref<640x128xf32, #tpu.memory_space<hbm>>
      %dma_start3A_11 = arith.constant 0 : i32
      %dma_start3A_12 = tpu.memref_slice %arg10[%mul3A_2, %dma_start3A_11] : memref<10240x128xf32, #tpu.memory_space<vmem_shared>> -> memref<640x128xf32, #tpu.memory_space<vmem_shared>>
      tpu.enqueue_dma source(%dma_start3A_12 : memref<640x128xf32, #tpu.memory_space<vmem_shared>>) target(%dma_start3A_10 : memref<640x128xf32, #tpu.memory_space<hbm>>) target_semaphore(%run_scoped3A : memref<!tpu.dma_semaphore, #tpu.memory_space<semaphore_mem>>)
      %dma_wait3A = arith.constant 0 : i32
      %dma_wait3A_13 = tpu.memref_slice %arg6[%arg0, %mul3A_2, %dma_wait3A] : memref<2x10240x128xf32, #tpu.memory_space<hbm>> -> memref<1x640x128xf32, #tpu.memory_space<hbm>>
      %dma_wait3A_14 = tpu.memref_squeeze %dma_wait3A_13 : memref<1x640x128xf32, #tpu.memory_space<hbm>> -> memref<640x128xf32, #tpu.memory_space<hbm>>
      %dma_wait3A_15 = arith.constant 0 : i32
      %dma_wait3A_16 = tpu.memref_slice %arg10[%mul3A_2, %dma_wait3A_15] : memref<10240x128xf32, #tpu.memory_space<vmem_shared>> -> memref<640x128xf32, #tpu.memory_space<vmem_shared>>
      tpu.wait_dma2 semaphore(%run_scoped3A : memref<!tpu.dma_semaphore, #tpu.memory_space<semaphore_mem>>) src(%dma_wait3A_16 : memref<640x128xf32, #tpu.memory_space<vmem_shared>>) dst(%dma_wait3A_14 : memref<640x128xf32, #tpu.memory_space<hbm>>)
      tpu.yield
    }) : () -> ()
    return
  }
}

module attributes {stable_mosaic.version = 14 : i64} {
  func.func @body(%arg0: i32, %arg1: memref<512x128xf32, #tpu.memory_space<vmem>>, %arg2: memref<128x128xf32, #tpu.memory_space<vmem>>, %arg3: memref<128x128xf32, #tpu.memory_space<vmem>>, %arg4: memref<1x128xf32, #tpu.memory_space<vmem>>, %arg5: memref<512x128xf32, #tpu.memory_space<vmem>>, %arg6: memref<512x128xf32, #tpu.memory_space<vmem>>) attributes {dimension_semantics = [#tpu.dimension_semantics<arbitrary>], iteration_bounds = array<i64: 20>, scalar_prefetch = 0 : i64, scratch_operands = 0 : i64, tpu.core_type = #tpu.core_type<tc>, window_params = [{transform_indices = @transform_0, window_bounds = array<i64: 512, 128>}, {pipeline_mode = #tpu.pipeline_mode<synchronous>, transform_indices = @transform_1, window_bounds = array<i64: 128, 128>}, {pipeline_mode = #tpu.pipeline_mode<synchronous>, transform_indices = @transform_2, window_bounds = array<i64: 128, 128>}, {pipeline_mode = #tpu.pipeline_mode<synchronous>, transform_indices = @transform_3, window_bounds = array<i64: 1, 128>}, {transform_indices = @transform_4, window_bounds = array<i64: 512, 128>}, {transform_indices = @transform_5, window_bounds = array<i64: 512, 128>}]} {
    %get3A = arith.constant 0 : index
    %get3A_0 = arith.constant 0 : index
    %get3A_1 = vector.load %arg1[%get3A, %get3A_0] : memref<512x128xf32, #tpu.memory_space<vmem>>, vector<512x128xf32>
    %get3A_2 = arith.constant 0 : index
    %get3A_3 = arith.constant 0 : index
    %get3A_4 = vector.load %arg2[%get3A_2, %get3A_3] : memref<128x128xf32, #tpu.memory_space<vmem>>, vector<128x128xf32>
    %dot_general3A = arith.constant dense<0.000000e+00> : vector<512x128xf32>
    %dot_general3A_5 = tpu.matmul %get3A_1, %get3A_4, %dot_general3A {dimension_numbers = #tpu.dot_dimension_numbers<[1], [0], [0], [1], [0, 0, 1, 1], [], []>, transpose_lhs_hint = false} : vector<512x128xf32>, vector<128x128xf32>, vector<512x128xf32> -> vector<512x128xf32>
    %swap3A = arith.constant 0 : index
    %swap3A_6 = arith.constant 0 : index
    %swap3A_7 = vector.load %arg5[%swap3A, %swap3A_6] : memref<512x128xf32, #tpu.memory_space<vmem>>, vector<512x128xf32>
    tpu.vector_store %arg5[%swap3A, %swap3A_6], %dot_general3A_5 {strides = array<i32>} : memref<512x128xf32, #tpu.memory_space<vmem>>, vector<512x128xf32>,
    %get3A_8 = arith.constant 0 : index
    %get3A_9 = arith.constant 0 : index
    %get3A_10 = vector.load %arg3[%get3A_8, %get3A_9] : memref<128x128xf32, #tpu.memory_space<vmem>>, vector<128x128xf32>
    %dot_general3A_11 = arith.constant dense<0.000000e+00> : vector<512x128xf32>
    %dot_general3A_12 = tpu.matmul %get3A_1, %get3A_10, %dot_general3A_11 {dimension_numbers = #tpu.dot_dimension_numbers<[1], [0], [0], [1], [0, 0, 1, 1], [], []>, transpose_lhs_hint = false} : vector<512x128xf32>, vector<128x128xf32>, vector<512x128xf32> -> vector<512x128xf32>
    %get3A_13 = arith.constant 0 : index
    %get3A_14 = arith.constant 0 : index
    %get3A_15 = vector.load %arg4[%get3A_13, %get3A_14] : memref<1x128xf32, #tpu.memory_space<vmem>>, vector<1x128xf32>
    %add3A = vector.broadcast %get3A_15 : vector<1x128xf32> to vector<512x128xf32>
    %add3A_16 = arith.addf %dot_general3A_12, %add3A : vector<512x128xf32>
    %swap3A_17 = arith.constant 0 : index
    %swap3A_18 = arith.constant 0 : index
    %swap3A_19 = vector.load %arg6[%swap3A_17, %swap3A_18] : memref<512x128xf32, #tpu.memory_space<vmem>>, vector<512x128xf32>
    tpu.vector_store %arg6[%swap3A_17, %swap3A_18], %add3A_16 {strides = array<i32>} : memref<512x128xf32, #tpu.memory_space<vmem>>, vector<512x128xf32>,
    return
  }
  func.func @transform_0(%arg0: i32) -> (i32, i32) {
    %c0_i32 = arith.constant 0 : i32
    %c0_i32_0 = arith.constant 0 : i32
    return %arg0, %c0_i32 : i32, i32
  }
  func.func @transform_1(%arg0: i32) -> (i32, i32) {
    %c0_i32 = arith.constant 0 : i32
    %c0_i32_0 = arith.constant 0 : i32
    %c0_i32_1 = arith.constant 0 : i32
    return %c0_i32, %c0_i32_0 : i32, i32
  }
  func.func @transform_2(%arg0: i32) -> (i32, i32) {
    %c0_i32 = arith.constant 0 : i32
    %c0_i32_0 = arith.constant 0 : i32
    %c0_i32_1 = arith.constant 0 : i32
    return %c0_i32, %c0_i32_0 : i32, i32
  }
  func.func @transform_3(%arg0: i32) -> (i32, i32) {
    %c0_i32 = arith.constant 0 : i32
    %c0_i32_0 = arith.constant 0 : i32
    %c0_i32_1 = arith.constant 0 : i32
    return %c0_i32, %c0_i32_0 : i32, i32
  }
  func.func @transform_4(%arg0: i32) -> (i32, i32) {
    %c0_i32 = arith.constant 0 : i32
    %c0_i32_0 = arith.constant 0 : i32
    return %arg0, %c0_i32 : i32, i32
  }
  func.func @transform_5(%arg0: i32) -> (i32, i32) {
    %c0_i32 = arith.constant 0 : i32
    %c0_i32_0 = arith.constant 0 : i32
    return %arg0, %c0_i32 : i32, i32
  }
}

module attributes {stable_mosaic.version = 14 : i64} {
  func.func @body(%arg0: i32, %arg1: memref<512x128xf32, #tpu.memory_space<vmem>>, %arg2: memref<512x128xf32, #tpu.memory_space<vmem>>, %arg3: memref<512x128xf32, #tpu.memory_space<vmem>>, %arg4: memref<128x128xf32, #tpu.memory_space<vmem>>, %arg5: memref<128x128xf32, #tpu.memory_space<vmem>>, %arg6: memref<1x128xf32, #tpu.memory_space<vmem>>, %arg7: memref<512x128xf32, #tpu.memory_space<vmem>>, %arg8: memref<512x128xf32, #tpu.memory_space<vmem>>) attributes {dimension_semantics = [#tpu.dimension_semantics<arbitrary>], iteration_bounds = array<i64: 20>, scalar_prefetch = 0 : i64, scratch_operands = 0 : i64, tpu.core_type = #tpu.core_type<tc>, window_params = [{transform_indices = @transform_0, window_bounds = array<i64: 512, 128>}, {transform_indices = @transform_1, window_bounds = array<i64: 512, 128>}, {transform_indices = @transform_2, window_bounds = array<i64: 512, 128>}, {pipeline_mode = #tpu.pipeline_mode<synchronous>, transform_indices = @transform_3, window_bounds = array<i64: 128, 128>}, {pipeline_mode = #tpu.pipeline_mode<synchronous>, transform_indices = @transform_4, window_bounds = array<i64: 128, 128>}, {pipeline_mode = #tpu.pipeline_mode<synchronous>, transform_indices = @transform_5, window_bounds = array<i64: 1, 128>}, {transform_indices = @transform_6, window_bounds = array<i64: 512, 128>}, {transform_indices = @transform_7, window_bounds = array<i64: 512, 128>}]} {
    %get3A = arith.constant 0 : index
    %get3A_0 = arith.constant 0 : index
    %get3A_1 = vector.load %arg1[%get3A, %get3A_0] : memref<512x128xf32, #tpu.memory_space<vmem>>, vector<512x128xf32>
    %get3A_2 = arith.constant 0 : index
    %get3A_3 = arith.constant 0 : index
    %get3A_4 = vector.load %arg2[%get3A_2, %get3A_3] : memref<512x128xf32, #tpu.memory_space<vmem>>, vector<512x128xf32>
    %add3A = arith.addf %get3A_1, %get3A_4 : vector<512x128xf32>
    %get3A_5 = arith.constant 0 : index
    %get3A_6 = arith.constant 0 : index
    %get3A_7 = vector.load %arg3[%get3A_5, %get3A_6] : memref<512x128xf32, #tpu.memory_space<vmem>>, vector<512x128xf32>
    %add3A_8 = arith.addf %add3A, %get3A_7 : vector<512x128xf32>
    %max3A = arith.constant 0.000000e+00 : f32
    %max3A_9 = vector.broadcast %max3A : f32 to vector<512x128xf32>
    %max3A_10 = arith.maximumf %add3A_8, %max3A_9 : vector<512x128xf32>
    %mul3A = arith.constant 512 : i32
    %mul3A_11 = arith.muli %arg0, %mul3A : i32
    %iota3A = tpu.iota {dimensions = array<i32: 0>} : vector<512x128xi32>
    %add3A_12 = vector.broadcast %mul3A_11 : i32 to vector<512x128xi32>
    %add3A_13 = arith.addi %add3A_12, %iota3A : vector<512x128xi32>
    %lt3A = arith.constant 10000 : i32
    %lt3A_14 = vector.broadcast %lt3A : i32 to vector<512x128xi32>
    %lt3A_15 = arith.cmpi slt, %add3A_13, %lt3A_14 : vector<512x128xi32>
    %jit3A = arith.constant 0.000000e+00 : f32
    %broadcast_in_dim3A = vector.broadcast %jit3A : f32 to vector<512x128xf32>
    %select_n3A = arith.select %lt3A_15, %max3A_10, %broadcast_in_dim3A : vector<512x128xi1>, vector<512x128xf32>
    %get3A_16 = arith.constant 0 : index
    %get3A_17 = arith.constant 0 : index
    %get3A_18 = vector.load %arg4[%get3A_16, %get3A_17] : memref<128x128xf32, #tpu.memory_space<vmem>>, vector<128x128xf32>
    %dot_general3A = arith.constant dense<0.000000e+00> : vector<512x128xf32>
    %dot_general3A_19 = tpu.matmul %select_n3A, %get3A_18, %dot_general3A {dimension_numbers = #tpu.dot_dimension_numbers<[1], [0], [0], [1], [0, 0, 1, 1], [], []>, transpose_lhs_hint = false} : vector<512x128xf32>, vector<128x128xf32>, vector<512x128xf32> -> vector<512x128xf32>
    %swap3A = arith.constant 0 : index
    %swap3A_20 = arith.constant 0 : index
    %swap3A_21 = vector.load %arg7[%swap3A, %swap3A_20] : memref<512x128xf32, #tpu.memory_space<vmem>>, vector<512x128xf32>
    tpu.vector_store %arg7[%swap3A, %swap3A_20], %dot_general3A_19 {strides = array<i32>} : memref<512x128xf32, #tpu.memory_space<vmem>>, vector<512x128xf32>,
    %get3A_22 = arith.constant 0 : index
    %get3A_23 = arith.constant 0 : index
    %get3A_24 = vector.load %arg5[%get3A_22, %get3A_23] : memref<128x128xf32, #tpu.memory_space<vmem>>, vector<128x128xf32>
    %dot_general3A_25 = arith.constant dense<0.000000e+00> : vector<512x128xf32>
    %dot_general3A_26 = tpu.matmul %select_n3A, %get3A_24, %dot_general3A_25 {dimension_numbers = #tpu.dot_dimension_numbers<[1], [0], [0], [1], [0, 0, 1, 1], [], []>, transpose_lhs_hint = false} : vector<512x128xf32>, vector<128x128xf32>, vector<512x128xf32> -> vector<512x128xf32>
    %get3A_27 = arith.constant 0 : index
    %get3A_28 = arith.constant 0 : index
    %get3A_29 = vector.load %arg6[%get3A_27, %get3A_28] : memref<1x128xf32, #tpu.memory_space<vmem>>, vector<1x128xf32>
    %add3A_30 = vector.broadcast %get3A_29 : vector<1x128xf32> to vector<512x128xf32>
    %add3A_31 = arith.addf %dot_general3A_26, %add3A_30 : vector<512x128xf32>
    %swap3A_32 = arith.constant 0 : index
    %swap3A_33 = arith.constant 0 : index
    %swap3A_34 = vector.load %arg8[%swap3A_32, %swap3A_33] : memref<512x128xf32, #tpu.memory_space<vmem>>, vector<512x128xf32>
    tpu.vector_store %arg8[%swap3A_32, %swap3A_33], %add3A_31 {strides = array<i32>} : memref<512x128xf32, #tpu.memory_space<vmem>>, vector<512x128xf32>,
    return
  }
  func.func @transform_0(%arg0: i32) -> (i32, i32) {
    %c0_i32 = arith.constant 0 : i32
    %c0_i32_0 = arith.constant 0 : i32
    return %arg0, %c0_i32 : i32, i32
  }
  func.func @transform_1(%arg0: i32) -> (i32, i32) {
    %c0_i32 = arith.constant 0 : i32
    %c0_i32_0 = arith.constant 0 : i32
    return %arg0, %c0_i32 : i32, i32
  }
  func.func @transform_2(%arg0: i32) -> (i32, i32) {
    %c0_i32 = arith.constant 0 : i32
    %c0_i32_0 = arith.constant 0 : i32
    return %arg0, %c0_i32 : i32, i32
  }
  func.func @transform_3(%arg0: i32) -> (i32, i32) {
    %c0_i32 = arith.constant 0 : i32
    %c0_i32_0 = arith.constant 0 : i32
    %c0_i32_1 = arith.constant 0 : i32
    return %c0_i32, %c0_i32_0 : i32, i32
  }
  func.func @transform_4(%arg0: i32) -> (i32, i32) {
    %c0_i32 = arith.constant 0 : i32
    %c0_i32_0 = arith.constant 0 : i32
    %c0_i32_1 = arith.constant 0 : i32
    return %c0_i32, %c0_i32_0 : i32, i32
  }
  func.func @transform_5(%arg0: i32) -> (i32, i32) {
    %c0_i32 = arith.constant 0 : i32
    %c0_i32_0 = arith.constant 0 : i32
    %c0_i32_1 = arith.constant 0 : i32
    return %c0_i32, %c0_i32_0 : i32, i32
  }
  func.func @transform_6(%arg0: i32) -> (i32, i32) {
    %c0_i32 = arith.constant 0 : i32
    %c0_i32_0 = arith.constant 0 : i32
    return %arg0, %c0_i32 : i32, i32
  }
  func.func @transform_7(%arg0: i32) -> (i32, i32) {
    %c0_i32 = arith.constant 0 : i32
    %c0_i32_0 = arith.constant 0 : i32
    return %arg0, %c0_i32 : i32, i32
  }
}

module attributes {stable_mosaic.version = 14 : i64} {
  func.func @body(%arg0: i32, %arg1: memref<512x128xf32, #tpu.memory_space<vmem>>, %arg2: memref<512x128xf32, #tpu.memory_space<vmem>>, %arg3: memref<512x128xf32, #tpu.memory_space<vmem>>, %arg4: memref<1x1x512xi32, #tpu.memory_space<vmem>>, %arg5: memref<128x64xf32, #tpu.memory_space<vmem>>, %arg6: memref<1x64xf32, #tpu.memory_space<vmem>>, %arg7: memref<64x64xf32, #tpu.memory_space<vmem>>, %arg8: memref<64x128xf32, #tpu.memory_space<vmem>>) attributes {dimension_semantics = [#tpu.dimension_semantics<arbitrary>], iteration_bounds = array<i64: 20>, scalar_prefetch = 0 : i64, scratch_operands = 1 : i64, tpu.core_type = #tpu.core_type<tc>, window_params = [{transform_indices = @transform_0, window_bounds = array<i64: 512, 128>}, {transform_indices = @transform_1, window_bounds = array<i64: 512, 128>}, {transform_indices = @transform_2, window_bounds = array<i64: 512, 128>}, {transform_indices = @transform_3, window_bounds = array<i64: 1, 1, 512>}, {pipeline_mode = #tpu.pipeline_mode<synchronous>, transform_indices = @transform_4, window_bounds = array<i64: 128, 64>}, {pipeline_mode = #tpu.pipeline_mode<synchronous>, transform_indices = @transform_5, window_bounds = array<i64: 1, 64>}, {pipeline_mode = #tpu.pipeline_mode<synchronous>, transform_indices = @transform_6, window_bounds = array<i64: 64, 64>}]} {
    %eq3A = arith.constant 0 : i32
    %eq3A_0 = arith.cmpi eq, %arg0, %eq3A : i32
    %convert_element_type3A = arith.extui %eq3A_0 : i1 to i32
    %cond3A = arith.constant 0 : i32
    %cond3A_1 = arith.cmpi ne, %convert_element_type3A, %cond3A : i32
    scf.if %cond3A_1 {
      %broadcast_in_dim3A_33 = arith.constant 0.000000e+00 : f32
      %broadcast_in_dim3A_34 = vector.broadcast %broadcast_in_dim3A_33 : f32 to vector<64x128xf32>
      %swap3A_35 = arith.constant 0 : index
      %swap3A_36 = arith.constant 0 : index
      %swap3A_37 = vector.load %arg8[%swap3A_35, %swap3A_36] : memref<64x128xf32, #tpu.memory_space<vmem>>, vector<64x128xf32>
      tpu.vector_store %arg8[%swap3A_35, %swap3A_36], %broadcast_in_dim3A_34 {strides = array<i32>} : memref<64x128xf32, #tpu.memory_space<vmem>>, vector<64x128xf32>,
    } else {
    }
    %get3A = arith.constant 0 : index
    %get3A_2 = arith.constant 0 : index
    %get3A_3 = vector.load %arg1[%get3A, %get3A_2] : memref<512x128xf32, #tpu.memory_space<vmem>>, vector<512x128xf32>
    %get3A_4 = arith.constant 0 : index
    %get3A_5 = arith.constant 0 : index
    %get3A_6 = vector.load %arg2[%get3A_4, %get3A_5] : memref<512x128xf32, #tpu.memory_space<vmem>>, vector<512x128xf32>
    %add3A = arith.addf %get3A_3, %get3A_6 : vector<512x128xf32>
    %get3A_7 = arith.constant 0 : index
    %get3A_8 = arith.constant 0 : index
    %get3A_9 = vector.load %arg3[%get3A_7, %get3A_8] : memref<512x128xf32, #tpu.memory_space<vmem>>, vector<512x128xf32>
    %add3A_10 = arith.addf %add3A, %get3A_9 : vector<512x128xf32>
    %max3A = arith.constant 0.000000e+00 : f32
    %max3A_11 = vector.broadcast %max3A : f32 to vector<512x128xf32>
    %max3A_12 = arith.maximumf %add3A_10, %max3A_11 : vector<512x128xf32>
    %get3A_13 = arith.constant 0 : index
    %get3A_14 = arith.constant 0 : index
    %get3A_15 = arith.constant 0 : index
    %get3A_16 = vector.load %arg4[%get3A_13, %get3A_14, %get3A_15] : memref<1x1x512xi32, #tpu.memory_space<vmem>>, vector<1x1x512xi32>
    %reshape3A = vector.shape_cast %get3A_16 : vector<1x1x512xi32> to vector<1x512xi32>
    %iota3A = tpu.iota {dimensions = array<i32: 0>} : vector<64x512xi32>
    %broadcast_in_dim3A = vector.shape_cast %reshape3A : vector<1x512xi32> to vector<1x512xi32>
    %broadcast_in_dim3A_17 = vector.broadcast %broadcast_in_dim3A : vector<1x512xi32> to vector<64x512xi32>
    %eq3A_18 = arith.cmpi eq, %iota3A, %broadcast_in_dim3A_17 : vector<64x512xi32>
    %convert_element_type3A_19 = arith.extui %eq3A_18 : vector<64x512xi1> to vector<64x512xi32>
    %convert_element_type3A_20 = arith.sitofp %convert_element_type3A_19 : vector<64x512xi32> to vector<64x512xf32>
    %get3A_21 = arith.constant 0 : index
    %get3A_22 = arith.constant 0 : index
    %get3A_23 = vector.load %arg8[%get3A_21, %get3A_22] : memref<64x128xf32, #tpu.memory_space<vmem>>, vector<64x128xf32>
    %dot_general3A = arith.constant dense<0.000000e+00> : vector<64x128xf32>
    %dot_general3A_24 = tpu.matmul %convert_element_type3A_20, %max3A_12, %dot_general3A {dimension_numbers = #tpu.dot_dimension_numbers<[1], [0], [0], [1], [0, 0, 1, 1], [], []>, transpose_lhs_hint = false} : vector<64x512xf32>, vector<512x128xf32>, vector<64x128xf32> -> vector<64x128xf32>
    %add3A_25 = arith.addf %get3A_23, %dot_general3A_24 : vector<64x128xf32>
    %swap3A = arith.constant 0 : index
    %swap3A_26 = arith.constant 0 : index
    %swap3A_27 = vector.load %arg8[%swap3A, %swap3A_26] : memref<64x128xf32, #tpu.memory_space<vmem>>, vector<64x128xf32>
    tpu.vector_store %arg8[%swap3A, %swap3A_26], %add3A_25 {strides = array<i32>} : memref<64x128xf32, #tpu.memory_space<vmem>>, vector<64x128xf32>,
    %eq3A_28 = arith.constant 19 : i32
    %eq3A_29 = arith.cmpi eq, %arg0, %eq3A_28 : i32
    %convert_element_type3A_30 = arith.extui %eq3A_29 : i1 to i32
    %cond3A_31 = arith.constant 0 : i32
    %cond3A_32 = arith.cmpi ne, %convert_element_type3A_30, %cond3A_31 : i32
    scf.if %cond3A_32 {
      %get3A_33 = arith.constant 0 : index
      %get3A_34 = arith.constant 0 : index
      %get3A_35 = vector.load %arg8[%get3A_33, %get3A_34] : memref<64x128xf32, #tpu.memory_space<vmem>>, vector<64x128xf32>
      %get3A_36 = arith.constant 0 : index
      %get3A_37 = arith.constant 0 : index
      %get3A_38 = vector.load %arg5[%get3A_36, %get3A_37] : memref<128x64xf32, #tpu.memory_space<vmem>>, vector<128x64xf32>
      %dot_general3A_39 = arith.constant dense<0.000000e+00> : vector<64x64xf32>
      %dot_general3A_40 = tpu.matmul %get3A_35, %get3A_38, %dot_general3A_39 {dimension_numbers = #tpu.dot_dimension_numbers<[1], [0], [0], [1], [0, 0, 1, 1], [], []>, transpose_lhs_hint = false} : vector<64x128xf32>, vector<128x64xf32>, vector<64x64xf32> -> vector<64x64xf32>
      %get3A_41 = arith.constant 0 : index
      %get3A_42 = arith.constant 0 : index
      %get3A_43 = vector.load %arg6[%get3A_41, %get3A_42] : memref<1x64xf32, #tpu.memory_space<vmem>>, vector<1x64xf32>
      %add3A_44 = vector.broadcast %get3A_43 : vector<1x64xf32> to vector<64x64xf32>
      %add3A_45 = arith.addf %dot_general3A_40, %add3A_44 : vector<64x64xf32>
      %swap3A_46 = arith.constant 0 : index
      %swap3A_47 = arith.constant 0 : index
      %swap3A_48 = vector.load %arg7[%swap3A_46, %swap3A_47] : memref<64x64xf32, #tpu.memory_space<vmem>>, vector<64x64xf32>
      tpu.vector_store %arg7[%swap3A_46, %swap3A_47], %add3A_45 {strides = array<i32>} : memref<64x64xf32, #tpu.memory_space<vmem>>, vector<64x64xf32>,
    } else {
    }
    return
  }
  func.func @transform_0(%arg0: i32) -> (i32, i32) {
    %c0_i32 = arith.constant 0 : i32
    %c0_i32_0 = arith.constant 0 : i32
    return %arg0, %c0_i32 : i32, i32
  }
  func.func @transform_1(%arg0: i32) -> (i32, i32) {
    %c0_i32 = arith.constant 0 : i32
    %c0_i32_0 = arith.constant 0 : i32
    return %arg0, %c0_i32 : i32, i32
  }
  func.func @transform_2(%arg0: i32) -> (i32, i32) {
    %c0_i32 = arith.constant 0 : i32
    %c0_i32_0 = arith.constant 0 : i32
    return %arg0, %c0_i32 : i32, i32
  }
  func.func @transform_3(%arg0: i32) -> (i32, i32, i32) {
    %c0_i32 = arith.constant 0 : i32
    %c0_i32_0 = arith.constant 0 : i32
    %c0_i32_1 = arith.constant 0 : i32
    return %arg0, %c0_i32, %c0_i32_0 : i32, i32, i32
  }
  func.func @transform_4(%arg0: i32) -> (i32, i32) {
    %c0_i32 = arith.constant 0 : i32
    %c0_i32_0 = arith.constant 0 : i32
    %c0_i32_1 = arith.constant 0 : i32
    return %c0_i32, %c0_i32_0 : i32, i32
  }
  func.func @transform_5(%arg0: i32) -> (i32, i32) {
    %c0_i32 = arith.constant 0 : i32
    %c0_i32_0 = arith.constant 0 : i32
    %c0_i32_1 = arith.constant 0 : i32
    return %c0_i32, %c0_i32_0 : i32, i32
  }
  func.func @transform_6(%arg0: i32) -> (i32, i32) {
    %c0_i32 = arith.constant 0 : i32
    %c0_i32_0 = arith.constant 0 : i32
    %c0_i32_1 = arith.constant 0 : i32
    return %c0_i32, %c0_i32_0 : i32, i32
  }
}

</mosaic_0001>

<sc_bundles>
// kernel: kernel.10.cloned.1.call-start
scs
__scs_entry_jumppad:
0x0: {  	(pc) =	sbr.rel $0x88, $3  }
0x1: {  	(tag) =	ssettag $0x0;
	lr =	simm.s32 $0x1  }
0x2: {  	[smem:$0x3F96] =	sst lr;
	_ =	strace $0xD0000000  }
0x3: {  	_ = 	snop  }
0x4: {  	_ = 	snop  }
0x5: {  	_ = 	snop  }
0x6: {  	_ = 	snop  }
0x7: {  	_ = 	snop  }
__scs_overlays_trampoline_lowered:
0x8: {  	[smem:$0x3FA5] =	sst s0  }
0x9: {  	[smem:$0x3FA6] =	sst s1  }
0xa: {  	[smem:$0x3FA7] =	sst s2  }
0xb: {  	[smem:$0x3FA8] =	sst s3  }
0xc: {  	[smem:$0x3FA9] =	sst s4  }
0xd: {  	[smem:$0x3FAA] =	sst s5  }
0xe: {  	[smem:$0x3FAB] =	sst s6  }
0xf: {  	[smem:$0x3FAC] =	sst s7  }
0x10: {  	[smem:$0x3FAD] =	sst s8  }
0x11: {  	[smem:$0x3FAE] =	sst s9;
	s0 =	simm.s32 @!p0 $0x0  }
0x12: {  	s1 =	sld [smem:$0x3F94];
	s0 =	simm.s32 @p0 $0x1  }
0x13: {  	[smem:$0x3FAF] =	sst s0;
	s0 =	simm.s32 @!p1 $0x0  }
0x14: {  	s2 =	sld [smem:$0x3F93];
	s0 =	simm.s32 @p1 $0x1  }
0x15: {  	[smem:$0x3FB0] =	sst s0;
	s0 =	simm.s32 @!p2 $0x0  }
0x16: {  	s3 =	sld [smem:$0x3FDB];
	s0 =	simm.s32 @p2 $0x1  }
0x17: {  	s4 =	simm.s32 $0x1BF5;
	[smem:$0x3FB2] =	sst s0  }
0x18: {  	s0 =	sld [smem:$0x3F95];
	_ =	swait.ge [sflag:s4], $0x0  }
0x19: {  	s7 =	sld [smem:$0x3F96]  }
0x1a: {  	s8 =	sadd.s32 $0xFFFFE003, lr  }
0x1b: {  	s9 =	sadd.s32 $0xFFFFFEF7, lr;
	s5 =	simm.s32 $0xFFFFFFFF;
	p2 =	slt.u32 s8, $0xFFFFF086  }
0x1c: {  	p1 =	slt.u32 s9, $0xF7A;
	s5 =	simm.s32 @!p2 $0x0  }
0x1d: {  	s5 =	simm.s32 @p1 $0x1;
	p0 =	seq.s32 s7, s2  }
0x1e: {  	s7 =	smul.u32 @!p0 $0xF7A, s2;
	p2 =	seq.s32 @!p0 s5, $0x0  }
0x1f: {  	s9 =	smul.u32 $0xF7A, s1;
	s8 =	simm.s32 @!p0 $0x1BF5;
	p2 =	por !p2, p0  }
0x20: {  	[sflag:s8] =	ssyncset.s32 @!p0 $0xFFFFF086;
	s6 =	sadd.s32 @!p0 s3, s7;
	s7 =	simm.s32 @!p0 $0x108  }
0x21: {  	s3 =	sadd.s32 s3, s9;
	s6 =	sadd.s32 @!p0 $0x88, s6;
	s7 =	simm.s32 @p2 $0x1082  }
0x22: {  	[simem:s7], [sflag:s8] =	dma.local @!p0 [hbm:s6], $0xF7A  }
0x23: {  	s9 =	sor.u32 $0xD0000000, s2;
	s6 =	simm.s32 $0x108;
	_ =	swait.ge @!p0 [sflag:s8], $0x0  }
0x24: {  	s3 =	sadd.s32 $0x88, s3;
	s6 =	simm.s32 @!p1 $0x1082;
	[sflag:s4] =	ssyncset.s32 $0xFFFFF086  }
0x25: {  	[simem:s6], [sflag:s4] =	dma.local [hbm:s3], $0xF7A  }
0x26: {  	[smem:$0x3F96] =	sst s1;
	(tag) =	ssettag s2;
	_ =	strace s9  }
0x27: {  	s1 =	sld [smem:$0x3FA6]  }
0x28: {  	s2 =	sld [smem:$0x3FA7]  }
0x29: {  	s4 =	sld [smem:$0x3FA9]  }
0x2a: {  	p0 =	seq.s32 s5, $0x0;
	s5 =	sld [smem:$0x3FAA]  }
0x2b: {  	s6 =	sld [smem:$0x3FAB]  }
0x2c: {  	s7 =	sld [smem:$0x3FAC]  }
0x2d: {  	s3 =	simm.s32 $0x108;
	s8 =	sld [smem:$0x3FAD]  }
0x2e: {  	s3 =	simm.s32 @!p0 $0x1082;
	s9 =	sld [smem:$0x3FAE]  }
0x2f: {  	lr =	sadd.s32 s0, s3;
	s0 =	sld [smem:$0x3FA5]  }
0x30: {  	s3 =	sld [smem:$0x3FA8]  }
0x31: {  	[smem:$0x3FB1] =	sst s10  }
0x32: {  	s10 =	sld [smem:$0x3FAF];
	_ =	sdelay $0x3  }
0x33: {  	p0 =	seq.s32 s10, $0x1;
	s10 =	sld [smem:$0x3FB1];
	_ =	sdelay $0x3  }
0x34: {  	[smem:$0x3FB1] =	sst s10  }
0x35: {  	s10 =	sld [smem:$0x3FB0];
	_ =	sdelay $0x3  }
0x36: {  	p1 =	seq.s32 s10, $0x1;
	s10 =	sld [smem:$0x3FB1];
	_ =	sdelay $0x3  }
0x37: {  	[smem:$0x3FB1] =	sst s10  }
0x38: {  	s10 =	sld [smem:$0x3FB2]  }
0x39: {  	_ = 	snop;
	(pc) =	sbr.ind lr, $3  }
0x3a: {  	_ = 	snop  }
0x3b: {  	_ = 	snop  }
0x3c: {  	p2 =	seq.s32 s10, $0x1;
	s10 =	sld [smem:$0x3FB1]  }
0x3d: {  	_ =	shalt  }
0x3e: {  	_ =	shalt  }
0x3f: {  	_ =	shalt  }
0x40: {  	_ =	shalt  }
0x41: {  	_ =	shalt  }
0x42: {  	_ =	shalt  }
0x43: {  	_ =	shalt  }
0x44: {  	_ =	shalt  }
0x45: {  	_ =	shalt  }
0x46: {  	_ =	shalt  }
0x47: {  	_ =	shalt  }
0x48: {  	_ =	shalt  }
0x49: {  	_ =	shalt  }
0x4a: {  	_ =	shalt  }
0x4b: {  	_ =	shalt  }
0x4c: {  	_ =	shalt  }
0x4d: {  	_ =	shalt  }
0x4e: {  	_ =	shalt  }
0x4f: {  	_ =	shalt  }
0x50: {  	_ =	shalt  }
0x51: {  	_ =	shalt  }
0x52: {  	_ =	shalt  }
0x53: {  	_ =	shalt  }
0x54: {  	_ =	shalt  }
0x55: {  	_ =	shalt  }
0x56: {  	_ =	shalt  }
0x57: {  	_ =	shalt  }
0x58: {  	_ =	shalt  }
0x59: {  	_ =	shalt  }
0x5a: {  	_ =	shalt  }
0x5b: {  	_ =	shalt  }
0x5c: {  	_ =	shalt  }
0x5d: {  	_ =	shalt  }
0x5e: {  	_ =	shalt  }
0x5f: {  	_ =	shalt  }
0x60: {  	_ =	shalt  }
0x61: {  	_ =	shalt  }
0x62: {  	_ =	shalt  }
0x63: {  	_ =	shalt  }
0x64: {  	_ =	shalt  }
0x65: {  	_ =	shalt  }
0x66: {  	_ =	shalt  }
0x67: {  	_ =	shalt  }
0x68: {  	_ =	shalt  }
0x69: {  	_ =	shalt  }
0x6a: {  	_ =	shalt  }
0x6b: {  	_ =	shalt  }
0x6c: {  	_ =	shalt  }
0x6d: {  	_ =	shalt  }
0x6e: {  	_ =	shalt  }
0x6f: {  	_ =	shalt  }
0x70: {  	_ =	shalt  }
0x71: {  	_ =	shalt  }
0x72: {  	_ =	shalt  }
0x73: {  	_ =	shalt  }
0x74: {  	_ =	shalt  }
0x75: {  	_ =	shalt  }
0x76: {  	_ =	shalt  }
0x77: {  	_ =	shalt  }
0x78: {  	_ =	shalt  }
0x79: {  	_ =	shalt  }
0x7a: {  	_ =	shalt  }
0x7b: {  	_ =	shalt  }
0x7c: {  	_ =	shalt  }
0x7d: {  	_ =	shalt  }
0x7e: {  	_ =	shalt  }
0x7f: {  	_ =	shalt  }
0x80: {  	_ =	shalt  }
0x81: {  	_ =	shalt  }
0x82: {  	_ =	shalt  }
0x83: {  	_ =	shalt  }
0x84: {  	_ =	shalt  }
0x85: {  	_ =	shalt  }
0x86: {  	_ =	shalt  }
0x87: {  	_ =	shalt  }
.Lfunc_end0:
.L_simem_size_0:
called_computation.1_lowered:
.L_overlay_start_0:
0x88: {  	s2 =	sld [smem:$0x3FD9]  }
0x89: {  	s3 =	sld [smem:$0x3FFE];
	_ =	sdelay $0x1  }
0x8a: {  	s1 =	srdreg.scid  }
0x8b: {  	s0 =	sand.u32 $0x1, s1  }
0x8c: {  	s16 =	sshll.u32 s0, $0xA;
	s2 =	sadd.s32 s3, s2  }
0x8d: {  	s2 =	sadd.s32 s2, s16  }
0x8e: {  	[smem:$0x3FBD] =	sst s2  }
0x8f: {  	_ = 	snop  }
0x90: {  	(tm) =	ssettm $0x1  }
0x91: {  	s17 =	sld [smem:$0x3FFB];
	_ =	sdelay $0x3  }
0x92: {  	_ =	strace s17  }
0x93: {  	s2 =	sld [smem:$0x3FFC];
	_ =	sdelay $0x3  }
0x94: {  	_ =	strace s2  }
0x95: {  	s2 =	sld [smem:$0x3FFD];
	_ =	sdelay $0x3  }
0x96: {  	_ =	strace s2  }
0x97: {  	_ =	strace $0x8FFFFFFF  }
0x98: {  	s18 =	sld [smem:$0x3FDB];
	_ =	sdelay $0x1  }
0x99: {  	s19 =	simm.s32 $_scs_section_size  }
0x9a: {  	s4 =	simm.s32 $_size__tile_overlayer_lowered;
	s5 =	simm.s32 $_tile_overlayer_lowered  }
0x9b: {  	s22 =	simm.s32 $0x1BFF;
	s21 =	sshll.u32 s5, $0x1;
	s2 =	sadd.s32 s19, s18  }
0x9c: {  	s6 =	simm.s32 $0x0;
	s20 =	sshll.u32 s4, $0x1;
	s4 =	sadd.s32 s21, s2  }
0x9d: {  	[timem:s6], [sflag:s22] =	dma.local [hbm:s4], s20  }
0x9e: {  	_ =	swait.ge [sflag:s22], s20  }
0x9f: {  	s3 =	ssub.s32 $0x0, s20;
	[sflag:s22] =	ssyncset.done $0x0  }
0xa0: {  	[sflag:s22] =	ssyncadd.s32 s3;
	_ =	sdelay $0x1  }
0xa1: {  	s23 =	simm.s32 $0x1B8B  }
0xa2: {  	_ =	swait.ge [sflag:s23], $0x1  }
0xa3: {  	[sflag:s23] =	ssyncset.done $0x0  }
0xa4: {  	s25 =	simm.s32 $0x1B8E;
	s24 =	sld [smem:$0x3FFE];
	[sflag:s23] =	ssyncadd.s32 $0xFFFFFFFF  }
0xa5: {  	s26 =	simm.s32 $execute0_lowered;
	[smem:$0x3FD2] =	sst s25  }
0xa6: {  	s4 =	sshll.u32 s26, $0x1;
	_ =	strace $0x80000049;
	[dreg:$0x1] =	wrdreg $0xFFFFFFFF  }
0xa7: {  	s28 =	simm.s32 $_size_execute0_lowered;
	s2 =	sadd.s32 s2, s4;
	[dreg:$0x0] =	wrdreg $0x0  }
0xa8: {  	s4 =	sshll.u32 s28, $0x1;
	[dreg:$0x2] =	wrdreg s2  }
0xa9: {  	[dreg:$0x3] =	wrdreg s4  }
0xaa: {  	[dreg:$0x4] =	wrdreg $0xC0  }
0xab: {  	_ =	task [dreg:s6], $0x5FFFF  }
0xac: {  	[dreg:$0x1] =	wrdreg $0xFFFFFFFF  }
0xad: {  	[dreg:$0x0] =	wrdreg $0x60  }
0xae: {  	[dreg:$0x2] =	wrdreg s24  }
0xaf: {  	[dreg:$0x3] =	wrdreg $0x41000  }
0xb0: {  	[dreg:$0x4] =	wrdreg $0x9  }
0xb1: {  	_ =	task.clear_ibuf [dreg:s6], $0x5FFFF;
	_ =	strace $0x90000049  }
0xb2: {  	s29 =	simm.s32 $0x9;
	_ =	strace $0x8000004B  }
0xb3: {  	_ =	swait.ge [sflag:s29], $0x1  }
0xb4: {  	[sflag:s29] =	ssyncadd.s32 $0xFFFFFFFF  }
0xb5: {  	_ =	strace $0x9000004B  }
0xb6: {  	_ =	sfence  }
0xb7: {  	s30 =	sld [smem:$0x0];
	_ =	sdelay $0x2  }
0xb8: {  	s31 =	sshll.u32 s1, $0xD;
	s1 =	sshrl.u32 s1, $0x2  }
0xb9: {  	s3 =	sand.u32 $0x4000, s31;
	s1 =	sadd.s32 s1, s30  }
0xba: {  	s0 =	sor.u32 s3, s0;
	s1 =	sshll.u32 s1, $0x11  }
0xbb: {  	s0 =	sor.u32 s1, s0  }
0xbc: {  	s0 =	sadd.s32 $0x8F2B, s0  }
0xbd: {  	[sflag:s0] =	ssyncadd.remote.s32 $0x1  }
0xbe: {  	_ =	sfence.sel $0xFFFF  }
0xbf: {  	[dreg:$0x0] =	wrdreg $0xFFFFFFFF;
	(pc) =	sbr.abs _section_cstart, $3  }
0xc0: {  	[dreg:$0x1] =	wrdreg $0xFFFFFFFF  }
0xc1: {  	_ =	task.clear_ibuf [dreg:s6], $0x2FFFF;
	_ =	strace $0x9FFFFFFF  }
0xc2: {  	(tm) =	ssettm $0x7FFFFFFF  }
0xc3: {  	_ =	shalt  }
tec
execute0_lowered:
.L_overlay_start_1:
0x0: {  	(tag) =	ssettag $0x1  }
0x1: {  	s7 =	rddreg [dreg:$0x0]  }
0x2: {  	s2 =	rddreg [dreg:$0x1]  }
0x3: {  	s0 =	rddreg [dreg:$0x2]  }
0x4: {  	s3 =	simm.s32 $0x0;
	s1 =	stileid.u32;
	s4 =	srdreg.scid  }
0x5: {  	s15 =	simm.s32 $0x100;
	s16 =	simm.s32 $0x1;
	s17 =	simm.s32 $0x0  }
0x6: {  	[smem:$0x7FF] =	sst s3;
	s8 =	smul.u32 $0x14000, s1;
	s9 =	sand.u32 $0x1, s4  }
0x7: {  	s4 =	sadd.s32 $0x16800, s7;
	s5 =	sadd.s32 $0x2800, s7;
	s6 =	sadd.s32 $0xC800, s7  }
0x8: {  	s13 =	smul.u32 $0x50000, s1;
	s29 =	sshll.u32 s1, $0x1;
	s31 =	sshll.u32 s1, $0x6  }
0x9: {  	_ =	strace $0x8000004A;
	s10 =	smul.u32 $0x140000, s9;
	s28 =	ssub.s32 $0x2, s9  }
0xa: {  	s9 =	sor.u32 s9, s29;
	s11 =	sshrl.u32 s8, $0x3;
	s12 =	sshrl.u32 s28, $0x1  }
0xb: {  	s30 =	sshrl.u32 s13, $0x2;
	s9 =	smul.u32 $0x2800, s9;
	s8 =	sadd.s32 s8, s10  }
0xc: {  	s11 =	sadd.s32 s11, s7;
	s12 =	ssub.s32 s28, s12;
	s8 =	sshrl.u32 s8, $0x3  }
0xd: {  	s13 =	sadd.s32 s30, s2;
	s14 =	sadd.s32 s8, s7;
	s7 =	sadd.s32 $0x66800, s11  }
0xe: {  	s8 =	sor.u32 $0x1C02, s31;
	s11 =	smax.u32 s12, $0x1;
	s12 =	sshrl.u32 s13, $0x3  }
0xf: {  	s13 =	simm.s32 $0x2;
	s10 =	sadd.s32 $0x8E800, s14;
	s14 =	simm.s32 $0x80  }
.LBB2_1:
0x10: {  	[spmem:s12], [sflag:s8] =	dma.local [hbm:s7], $0x2800  }
0x11: {  	s18 =	sand.u32 $0x3C00, s3  }
0x12: {  	s19 =	sand.u32 $0x380, s3;
	_ =	swait.ge [sflag:s13], $0x2800;
	s18 =	sadd.s32 s9, s18  }
0x13: {  	[sflag:s13] =	ssyncset.done $0x0;
	s18 =	sor.u32 s19, s18  }
0x14: {  	[sflag:s13] =	ssyncadd.s32 $0xFFFFD800;
	s18 =	sshrl.u32 s18, $0x3  }
0x15: {  	[bflag:$0x0] =	sbarrier.arrive $0xFFFF;
	s29 =	sadd.s32 s5, s18  }
0x16: {  	[tilespmem:s3], [sflag:$0x2] =	stream.linear.gather [hbm4b:s29+s3], $0x80, $0x38;
	[tilespmem:$0x18100] =	vst v63  }
0x17: {  	_ =	swait.ge [sflag:s13], $0x80  }
0x18: {  	[sflag:s13] =	ssyncset.done $0x0  }
0x19: {  	s18 =	sadd.s32 s6, s18;
	[sflag:s13] =	ssyncadd.s32 $0xFFFFFF80  }
0x1a: {  	[tilespmem:s14], [sflag:$0x2] =	stream.linear.gather [hbm4b:s18+s3], $0x80, $0x38;
	[tilespmem:$0x18100] =	vst v63  }
0x1b: {  	_ =	swait.ge [sflag:s13], $0x80  }
0x1c: {  	[sflag:s13] =	ssyncset.done $0x0  }
0x1d: {  	[sflag:s13] =	ssyncadd.s32 $0xFFFFFF80  }
0x1e: {  	[tilespmem:s15], [sflag:$0x1] =	stream.indirect.gather [hbm4b:s4+s14], $0x80, s3, s14, $0xb8;
	[tilespmem:$0x18100] =	vst v63  }
0x1f: {  	_ =	swait.ge [sflag:s16], $0x4000  }
0x20: {  	s30 =	simm.s32 $0x80;
	[sflag:s16] =	ssyncset.done $0x0  }
0x21: {  	s31 =	sand.u32 $0x3C00, s30;
	[sflag:s16] =	ssyncadd.s32 $0xFFFFC000  }
0x22: {  	[spmem:s2] =	stream.indirect.scatter.add.f32 [tilespmem:s15], [sflag:$0x2], $0x80, s14, s14, $0xb8;
	[tilespmem:$0x18100] =	vst v63  }
0x23: {  	s20 =	sand.u32 $0x380, s30;
	s19 =	sadd.s32 s9, s31;
	_ =	swait.ge [sflag:s13], $0x4000  }
0x24: {  	s19 =	sor.u32 s20, s19;
	s18 =	simm.s32 $0x100;
	[sflag:s13] =	ssyncset.done $0x0  }
.LBB2_2:
0x25: {  	s19 =	sshrl.u32 s19, $0x3  }
0x26: {  	[sflag:s13] =	ssyncadd.s32 $0xFFFFC000;
	s20 =	smov.u32 s18;
	s21 =	sadd.s32 $0x80, s18  }
0x27: {  	p0 =	sne.s32 s18, $0x2700;
	s18 =	sadd.s32 s5, s19  }
0x28: {  	[tilespmem:s3], [sflag:$0x2] =	stream.linear.gather [hbm4b:s18+s3], $0x80, $0x38;
	[tilespmem:$0x18100] =	vst v63  }
0x29: {  	_ =	swait.ge [sflag:s13], $0x80  }
0x2a: {  	[sflag:s13] =	ssyncset.done $0x0  }
0x2b: {  	s18 =	sadd.s32 s6, s19;
	[sflag:s13] =	ssyncadd.s32 $0xFFFFFF80  }
0x2c: {  	[tilespmem:s14], [sflag:$0x2] =	stream.linear.gather [hbm4b:s18+s3], $0x80, $0x38;
	[tilespmem:$0x18100] =	vst v63  }
0x2d: {  	_ =	swait.ge [sflag:s13], $0x80  }
0x2e: {  	[sflag:s13] =	ssyncset.done $0x0  }
0x2f: {  	[sflag:s13] =	ssyncadd.s32 $0xFFFFFF80  }
0x30: {  	[tilespmem:s15], [sflag:$0x1] =	stream.indirect.gather [hbm4b:s4+s14], $0x80, s3, s14, $0xb8;
	[tilespmem:$0x18100] =	vst v63  }
0x31: {  	_ =	swait.ge [sflag:s16], $0x4000  }
.Ltmp0:
0x32: {  	[sflag:s16] =	ssyncset.done $0x0;
	(pc) =	sbr.rel @p0 .LBB2_2-.Ltmp0, $4  }
0x33: {  	s18 =	sand.u32 $0x3C00, s20;
	[sflag:s16] =	ssyncadd.s32 $0xFFFFC000  }
0x34: {  	[spmem:s2] =	stream.indirect.scatter.add.f32 [tilespmem:s15], [sflag:$0x2], $0x80, s14, s14, $0xb8;
	[tilespmem:$0x18100] =	vst v63  }
0x35: {  	s19 =	sand.u32 $0x380, s20;
	s18 =	sadd.s32 s9, s18;
	_ =	swait.ge [sflag:s13], $0x4000  }
0x36: {  	s19 =	sor.u32 s19, s18;
	s18 =	smov.u32 s21;
	[sflag:s13] =	ssyncset.done $0x0  }
0x37: {  	s18 =	sshrl.u32 s19, $0x3  }
0x38: {  	[sflag:s13] =	ssyncadd.s32 $0xFFFFC000;
	s19 =	sadd.s32 s5, s18  }
0x39: {  	[tilespmem:s3], [sflag:$0x2] =	stream.linear.gather [hbm4b:s19+s3], $0x80, $0x38;
	[tilespmem:$0x18100] =	vst v63  }
0x3a: {  	_ =	swait.ge [sflag:s13], $0x80  }
0x3b: {  	[sflag:s13] =	ssyncset.done $0x0  }
0x3c: {  	s18 =	sadd.s32 s6, s18;
	[sflag:s13] =	ssyncadd.s32 $0xFFFFFF80  }
0x3d: {  	[tilespmem:s14], [sflag:$0x2] =	stream.linear.gather [hbm4b:s18+s3], $0x80, $0x38;
	[tilespmem:$0x18100] =	vst v63  }
0x3e: {  	_ =	swait.ge [sflag:s13], $0x80  }
0x3f: {  	[sflag:s13] =	ssyncset.done $0x0  }
0x40: {  	[sflag:s13] =	ssyncadd.s32 $0xFFFFFF80  }
0x41: {  	[tilespmem:s15], [sflag:$0x1] =	stream.indirect.gather [hbm4b:s4+s14], $0x80, s3, s14, $0xb8;
	[tilespmem:$0x18100] =	vst v63  }
0x42: {  	_ =	swait.ge [sflag:s16], $0x4000  }
0x43: {  	[sflag:s16] =	ssyncset.done $0x0  }
0x44: {  	[sflag:s16] =	ssyncadd.s32 $0xFFFFC000  }
0x45: {  	[spmem:s2] =	stream.indirect.scatter.add.f32 [tilespmem:s15], [sflag:$0x2], $0x80, s14, s14, $0xb8;
	[tilespmem:$0x18100] =	vst v63  }
0x46: {  	_ =	swait.ge [sflag:s13], $0x4000  }
0x47: {  	s17 =	sadd.s32 $0x1, s17;
	[sflag:s13] =	ssyncset.done $0x0  }
0x48: {  	p0 =	sne.s32 s17, s11;
	[sflag:s13] =	ssyncadd.s32 $0xFFFFC000  }
.Ltmp1:
0x49: {  	[bflag:$0x0] =	sbarrier.arrive $0xFFFF;
	(pc) =	sbr.rel @p0 .LBB2_1-.Ltmp1, $4  }
0x4a: {  	[hbm:s10], [sflag:s8] =	dma.local [spmem:s12], $0x2800  }
0x4b: {  	_ =	swait.ge [sflag:s13], $0x2800  }
0x4c: {  	[sflag:s13] =	ssyncset.done $0x0  }
0x4d: {  	[sflag:s13] =	ssyncadd.s32 $0xFFFFD800  }
0x4e: {  	_ =	sfence.sel $0x180000  }
0x4f: {  	[bflag:$0x0] =	sbarrier.arrive $0xFFFF  }
0x50: {  	p0 =	sne.s32 s1, $0x0;
	_ =	strace $0x9000004A  }
0x51: {  	s0 =	sadd.s32 @!p0 $0x100000, s0;
	[bflag:$0x2] =	sbarrier.arrive $0xFFFF  }
0x52: {  	[sflag:s0] =	ssyncadd.tile.s32 @!p0 $0x1;
	_ =	shalt  }
.Lfunc_end2:
_tile_overlayer_lowered:
.L_overlay_start_2:
0x53: {  	(tag) =	ssettag $0x2  }
0x54: {  	s0 =	rddreg [dreg:$0x0];
	s2 =	stileid.u32  }
0x55: {  	s1 =	rddreg [dreg:$0x1];
	p0 =	sne.s32 s2, $0x0  }
0x56: {  	s3 =	rddreg [dreg:$0x2];
	[bflag:$0x3] =	sbarrier.arrive $0xFFFF;
	s2 =	simm.s32 @!p0 $0x1C02  }
0x57: {  	[timem:s3], [sflag:s2] =	dma.local @!p0 [hbm:s0], s1  }
0x58: {  	s0 =	simm.s32 @!p0 $0x2  }
0x59: {  	_ =	swait.ge @!p0 [sflag:s0], s1  }
0x5a: {  	s1 =	ssub.s32 @!p0 $0x0, s1;
	[sflag:s0] =	ssyncset.done @!p0 $0x0  }
0x5b: {  	[sflag:s0] =	ssyncadd.s32 @!p0 s1  }
0x5c: {  	[bflag:$0x3] =	sbarrier.arrive $0xFFFF  }
0x5d: {  	_ =	shalt  }

// kernel: kernel.7.cloned.1.call-start
scs
__scs_entry_jumppad:
0x0: {  	(pc) =	sbr.rel $0x88, $3  }
0x1: {  	(tag) =	ssettag $0x0;
	lr =	simm.s32 $0x1  }
0x2: {  	[smem:$0x3F96] =	sst lr;
	_ =	strace $0xD0000000  }
0x3: {  	_ = 	snop  }
0x4: {  	_ = 	snop  }
0x5: {  	_ = 	snop  }
0x6: {  	_ = 	snop  }
0x7: {  	_ = 	snop  }
__scs_overlays_trampoline_lowered:
0x8: {  	[smem:$0x3FA5] =	sst s0  }
0x9: {  	[smem:$0x3FA6] =	sst s1  }
0xa: {  	[smem:$0x3FA7] =	sst s2  }
0xb: {  	[smem:$0x3FA8] =	sst s3  }
0xc: {  	[smem:$0x3FA9] =	sst s4  }
0xd: {  	[smem:$0x3FAA] =	sst s5  }
0xe: {  	[smem:$0x3FAB] =	sst s6  }
0xf: {  	[smem:$0x3FAC] =	sst s7  }
0x10: {  	[smem:$0x3FAD] =	sst s8  }
0x11: {  	[smem:$0x3FAE] =	sst s9;
	s0 =	simm.s32 @!p0 $0x0  }
0x12: {  	s1 =	sld [smem:$0x3F94];
	s0 =	simm.s32 @p0 $0x1  }
0x13: {  	[smem:$0x3FAF] =	sst s0;
	s0 =	simm.s32 @!p1 $0x0  }
0x14: {  	s2 =	sld [smem:$0x3F93];
	s0 =	simm.s32 @p1 $0x1  }
0x15: {  	[smem:$0x3FB0] =	sst s0;
	s0 =	simm.s32 @!p2 $0x0  }
0x16: {  	s3 =	sld [smem:$0x3FDB];
	s0 =	simm.s32 @p2 $0x1  }
0x17: {  	s4 =	simm.s32 $0x1BF5;
	[smem:$0x3FB2] =	sst s0  }
0x18: {  	s0 =	sld [smem:$0x3F95];
	_ =	swait.ge [sflag:s4], $0x0  }
0x19: {  	s7 =	sld [smem:$0x3F96]  }
0x1a: {  	s8 =	sadd.s32 $0xFFFFE003, lr  }
0x1b: {  	s9 =	sadd.s32 $0xFFFFFEF7, lr;
	s5 =	simm.s32 $0xFFFFFFFF;
	p2 =	slt.u32 s8, $0xFFFFF086  }
0x1c: {  	p1 =	slt.u32 s9, $0xF7A;
	s5 =	simm.s32 @!p2 $0x0  }
0x1d: {  	s5 =	simm.s32 @p1 $0x1;
	p0 =	seq.s32 s7, s2  }
0x1e: {  	s7 =	smul.u32 @!p0 $0xF7A, s2;
	p2 =	seq.s32 @!p0 s5, $0x0  }
0x1f: {  	s9 =	smul.u32 $0xF7A, s1;
	s8 =	simm.s32 @!p0 $0x1BF5;
	p2 =	por !p2, p0  }
0x20: {  	[sflag:s8] =	ssyncset.s32 @!p0 $0xFFFFF086;
	s6 =	sadd.s32 @!p0 s3, s7;
	s7 =	simm.s32 @!p0 $0x108  }
0x21: {  	s3 =	sadd.s32 s3, s9;
	s6 =	sadd.s32 @!p0 $0x88, s6;
	s7 =	simm.s32 @p2 $0x1082  }
0x22: {  	[simem:s7], [sflag:s8] =	dma.local @!p0 [hbm:s6], $0xF7A  }
0x23: {  	s9 =	sor.u32 $0xD0000000, s2;
	s6 =	simm.s32 $0x108;
	_ =	swait.ge @!p0 [sflag:s8], $0x0  }
0x24: {  	s3 =	sadd.s32 $0x88, s3;
	s6 =	simm.s32 @!p1 $0x1082;
	[sflag:s4] =	ssyncset.s32 $0xFFFFF086  }
0x25: {  	[simem:s6], [sflag:s4] =	dma.local [hbm:s3], $0xF7A  }
0x26: {  	[smem:$0x3F96] =	sst s1;
	(tag) =	ssettag s2;
	_ =	strace s9  }
0x27: {  	s1 =	sld [smem:$0x3FA6]  }
0x28: {  	s2 =	sld [smem:$0x3FA7]  }
0x29: {  	s4 =	sld [smem:$0x3FA9]  }
0x2a: {  	p0 =	seq.s32 s5, $0x0;
	s5 =	sld [smem:$0x3FAA]  }
0x2b: {  	s6 =	sld [smem:$0x3FAB]  }
0x2c: {  	s7 =	sld [smem:$0x3FAC]  }
0x2d: {  	s3 =	simm.s32 $0x108;
	s8 =	sld [smem:$0x3FAD]  }
0x2e: {  	s3 =	simm.s32 @!p0 $0x1082;
	s9 =	sld [smem:$0x3FAE]  }
0x2f: {  	lr =	sadd.s32 s0, s3;
	s0 =	sld [smem:$0x3FA5]  }
0x30: {  	s3 =	sld [smem:$0x3FA8]  }
0x31: {  	[smem:$0x3FB1] =	sst s10  }
0x32: {  	s10 =	sld [smem:$0x3FAF];
	_ =	sdelay $0x3  }
0x33: {  	p0 =	seq.s32 s10, $0x1;
	s10 =	sld [smem:$0x3FB1];
	_ =	sdelay $0x3  }
0x34: {  	[smem:$0x3FB1] =	sst s10  }
0x35: {  	s10 =	sld [smem:$0x3FB0];
	_ =	sdelay $0x3  }
0x36: {  	p1 =	seq.s32 s10, $0x1;
	s10 =	sld [smem:$0x3FB1];
	_ =	sdelay $0x3  }
0x37: {  	[smem:$0x3FB1] =	sst s10  }
0x38: {  	s10 =	sld [smem:$0x3FB2]  }
0x39: {  	_ = 	snop;
	(pc) =	sbr.ind lr, $3  }
0x3a: {  	_ = 	snop  }
0x3b: {  	_ = 	snop  }
0x3c: {  	p2 =	seq.s32 s10, $0x1;
	s10 =	sld [smem:$0x3FB1]  }
0x3d: {  	_ =	shalt  }
0x3e: {  	_ =	shalt  }
0x3f: {  	_ =	shalt  }
0x40: {  	_ =	shalt  }
0x41: {  	_ =	shalt  }
0x42: {  	_ =	shalt  }
0x43: {  	_ =	shalt  }
0x44: {  	_ =	shalt  }
0x45: {  	_ =	shalt  }
0x46: {  	_ =	shalt  }
0x47: {  	_ =	shalt  }
0x48: {  	_ =	shalt  }
0x49: {  	_ =	shalt  }
0x4a: {  	_ =	shalt  }
0x4b: {  	_ =	shalt  }
0x4c: {  	_ =	shalt  }
0x4d: {  	_ =	shalt  }
0x4e: {  	_ =	shalt  }
0x4f: {  	_ =	shalt  }
0x50: {  	_ =	shalt  }
0x51: {  	_ =	shalt  }
0x52: {  	_ =	shalt  }
0x53: {  	_ =	shalt  }
0x54: {  	_ =	shalt  }
0x55: {  	_ =	shalt  }
0x56: {  	_ =	shalt  }
0x57: {  	_ =	shalt  }
0x58: {  	_ =	shalt  }
0x59: {  	_ =	shalt  }
0x5a: {  	_ =	shalt  }
0x5b: {  	_ =	shalt  }
0x5c: {  	_ =	shalt  }
0x5d: {  	_ =	shalt  }
0x5e: {  	_ =	shalt  }
0x5f: {  	_ =	shalt  }
0x60: {  	_ =	shalt  }
0x61: {  	_ =	shalt  }
0x62: {  	_ =	shalt  }
0x63: {  	_ =	shalt  }
0x64: {  	_ =	shalt  }
0x65: {  	_ =	shalt  }
0x66: {  	_ =	shalt  }
0x67: {  	_ =	shalt  }
0x68: {  	_ =	shalt  }
0x69: {  	_ =	shalt  }
0x6a: {  	_ =	shalt  }
0x6b: {  	_ =	shalt  }
0x6c: {  	_ =	shalt  }
0x6d: {  	_ =	shalt  }
0x6e: {  	_ =	shalt  }
0x6f: {  	_ =	shalt  }
0x70: {  	_ =	shalt  }
0x71: {  	_ =	shalt  }
0x72: {  	_ =	shalt  }
0x73: {  	_ =	shalt  }
0x74: {  	_ =	shalt  }
0x75: {  	_ =	shalt  }
0x76: {  	_ =	shalt  }
0x77: {  	_ =	shalt  }
0x78: {  	_ =	shalt  }
0x79: {  	_ =	shalt  }
0x7a: {  	_ =	shalt  }
0x7b: {  	_ =	shalt  }
0x7c: {  	_ =	shalt  }
0x7d: {  	_ =	shalt  }
0x7e: {  	_ =	shalt  }
0x7f: {  	_ =	shalt  }
0x80: {  	_ =	shalt  }
0x81: {  	_ =	shalt  }
0x82: {  	_ =	shalt  }
0x83: {  	_ =	shalt  }
0x84: {  	_ =	shalt  }
0x85: {  	_ =	shalt  }
0x86: {  	_ =	shalt  }
0x87: {  	_ =	shalt  }
.Lfunc_end0:
.L_simem_size_0:
called_computation_lowered:
.L_overlay_start_0:
0x88: {  	s2 =	sld [smem:$0x3FD9]  }
0x89: {  	s3 =	sld [smem:$0x3FFE];
	_ =	sdelay $0x1  }
0x8a: {  	s1 =	srdreg.scid  }
0x8b: {  	s0 =	sand.u32 $0x1, s1  }
0x8c: {  	s16 =	sshll.u32 s0, $0xA;
	s2 =	sadd.s32 s3, s2  }
0x8d: {  	s2 =	sadd.s32 s2, s16  }
0x8e: {  	[smem:$0x3FBD] =	sst s2  }
0x8f: {  	_ = 	snop  }
0x90: {  	(tm) =	ssettm $0x1  }
0x91: {  	s17 =	sld [smem:$0x3FFB];
	_ =	sdelay $0x3  }
0x92: {  	_ =	strace s17  }
0x93: {  	s2 =	sld [smem:$0x3FFC];
	_ =	sdelay $0x3  }
0x94: {  	_ =	strace s2  }
0x95: {  	s2 =	sld [smem:$0x3FFD];
	_ =	sdelay $0x3  }
0x96: {  	_ =	strace s2  }
0x97: {  	_ =	strace $0x8FFFFFFF  }
0x98: {  	s18 =	sld [smem:$0x3FDB];
	_ =	sdelay $0x1  }
0x99: {  	s19 =	simm.s32 $_scs_section_size  }
0x9a: {  	s4 =	simm.s32 $_size__tile_overlayer_lowered;
	s5 =	simm.s32 $_tile_overlayer_lowered  }
0x9b: {  	s22 =	simm.s32 $0x1BFF;
	s21 =	sshll.u32 s5, $0x1;
	s2 =	sadd.s32 s19, s18  }
0x9c: {  	s6 =	simm.s32 $0x0;
	s20 =	sshll.u32 s4, $0x1;
	s4 =	sadd.s32 s21, s2  }
0x9d: {  	[timem:s6], [sflag:s22] =	dma.local [hbm:s4], s20  }
0x9e: {  	_ =	swait.ge [sflag:s22], s20  }
0x9f: {  	s3 =	ssub.s32 $0x0, s20;
	[sflag:s22] =	ssyncset.done $0x0  }
0xa0: {  	[sflag:s22] =	ssyncadd.s32 s3;
	_ =	sdelay $0x1  }
0xa1: {  	s23 =	simm.s32 $0x1B8B  }
0xa2: {  	_ =	swait.ge [sflag:s23], $0x1  }
0xa3: {  	[sflag:s23] =	ssyncset.done $0x0  }
0xa4: {  	s25 =	simm.s32 $0x1B8E;
	s24 =	sld [smem:$0x3FFE];
	[sflag:s23] =	ssyncadd.s32 $0xFFFFFFFF  }
0xa5: {  	s26 =	simm.s32 $execute0_lowered;
	[smem:$0x3FD2] =	sst s25  }
0xa6: {  	s4 =	sshll.u32 s26, $0x1;
	_ =	strace $0x80000046;
	[dreg:$0x1] =	wrdreg $0xFFFFFFFF  }
0xa7: {  	s28 =	simm.s32 $_size_execute0_lowered;
	s2 =	sadd.s32 s2, s4;
	[dreg:$0x0] =	wrdreg $0x0  }
0xa8: {  	s4 =	sshll.u32 s28, $0x1;
	[dreg:$0x2] =	wrdreg s2  }
0xa9: {  	[dreg:$0x3] =	wrdreg s4  }
0xaa: {  	[dreg:$0x4] =	wrdreg $0xC0  }
0xab: {  	_ =	task [dreg:s6], $0x5FFFF  }
0xac: {  	[dreg:$0x1] =	wrdreg $0xFFFFFFFF  }
0xad: {  	[dreg:$0x0] =	wrdreg $0x60  }
0xae: {  	[dreg:$0x2] =	wrdreg s24  }
0xaf: {  	[dreg:$0x3] =	wrdreg $0x41000  }
0xb0: {  	[dreg:$0x4] =	wrdreg $0x9  }
0xb1: {  	_ =	task.clear_ibuf [dreg:s6], $0x5FFFF;
	_ =	strace $0x90000046  }
0xb2: {  	s29 =	simm.s32 $0x9;
	_ =	strace $0x80000048  }
0xb3: {  	_ =	swait.ge [sflag:s29], $0x1  }
0xb4: {  	[sflag:s29] =	ssyncadd.s32 $0xFFFFFFFF  }
0xb5: {  	_ =	strace $0x90000048  }
0xb6: {  	_ =	sfence  }
0xb7: {  	s30 =	sld [smem:$0x0];
	_ =	sdelay $0x2  }
0xb8: {  	s31 =	sshll.u32 s1, $0xD;
	s1 =	sshrl.u32 s1, $0x2  }
0xb9: {  	s3 =	sand.u32 $0x4000, s31;
	s1 =	sadd.s32 s1, s30  }
0xba: {  	s0 =	sor.u32 s3, s0;
	s1 =	sshll.u32 s1, $0x11  }
0xbb: {  	s0 =	sor.u32 s1, s0  }
0xbc: {  	s0 =	sadd.s32 $0x8F2B, s0  }
0xbd: {  	[sflag:s0] =	ssyncadd.remote.s32 $0x1  }
0xbe: {  	_ =	sfence.sel $0xFFFF  }
0xbf: {  	[dreg:$0x0] =	wrdreg $0xFFFFFFFF;
	(pc) =	sbr.abs _section_cstart, $3  }
0xc0: {  	[dreg:$0x1] =	wrdreg $0xFFFFFFFF  }
0xc1: {  	_ =	task.clear_ibuf [dreg:s6], $0x2FFFF;
	_ =	strace $0x9FFFFFFF  }
0xc2: {  	(tm) =	ssettm $0x7FFFFFFF  }
0xc3: {  	_ =	shalt  }
tec
execute0_lowered:
.L_overlay_start_1:
0x0: {  	(tag) =	ssettag $0x1  }
0x1: {  	s7 =	rddreg [dreg:$0x0]  }
0x2: {  	s2 =	rddreg [dreg:$0x1]  }
0x3: {  	s0 =	rddreg [dreg:$0x2]  }
0x4: {  	s3 =	simm.s32 $0x0;
	s1 =	stileid.u32;
	s4 =	srdreg.scid  }
0x5: {  	s15 =	simm.s32 $0x100;
	s16 =	simm.s32 $0x1;
	s17 =	simm.s32 $0x0  }
0x6: {  	[smem:$0x7FF] =	sst s3;
	s8 =	smul.u32 $0x14000, s1;
	s9 =	sand.u32 $0x1, s4  }
0x7: {  	s4 =	sadd.s32 $0x16800, s7;
	s5 =	sadd.s32 $0x2800, s7;
	s6 =	sadd.s32 $0xC800, s7  }
0x8: {  	s13 =	smul.u32 $0x50000, s1;
	s29 =	sshll.u32 s1, $0x1;
	s31 =	sshll.u32 s1, $0x6  }
0x9: {  	_ =	strace $0x80000047;
	s10 =	smul.u32 $0x140000, s9;
	s28 =	ssub.s32 $0x2, s9  }
0xa: {  	s9 =	sor.u32 s9, s29;
	s11 =	sshrl.u32 s8, $0x3;
	s12 =	sshrl.u32 s28, $0x1  }
0xb: {  	s30 =	sshrl.u32 s13, $0x2;
	s9 =	smul.u32 $0x2800, s9;
	s8 =	sadd.s32 s8, s10  }
0xc: {  	s11 =	sadd.s32 s11, s7;
	s12 =	ssub.s32 s28, s12;
	s8 =	sshrl.u32 s8, $0x3  }
0xd: {  	s13 =	sadd.s32 s30, s2;
	s14 =	sadd.s32 s8, s7;
	s7 =	sadd.s32 $0x66800, s11  }
0xe: {  	s8 =	sor.u32 $0x1C02, s31;
	s11 =	smax.u32 s12, $0x1;
	s12 =	sshrl.u32 s13, $0x3  }
0xf: {  	s13 =	simm.s32 $0x2;
	s10 =	sadd.s32 $0x8E800, s14;
	s14 =	simm.s32 $0x80  }
.LBB2_1:
0x10: {  	[spmem:s12], [sflag:s8] =	dma.local [hbm:s7], $0x2800  }
0x11: {  	s18 =	sand.u32 $0x3C00, s3  }
0x12: {  	s19 =	sand.u32 $0x380, s3;
	_ =	swait.ge [sflag:s13], $0x2800;
	s18 =	sadd.s32 s9, s18  }
0x13: {  	[sflag:s13] =	ssyncset.done $0x0;
	s18 =	sor.u32 s19, s18  }
0x14: {  	[sflag:s13] =	ssyncadd.s32 $0xFFFFD800;
	s18 =	sshrl.u32 s18, $0x3  }
0x15: {  	[bflag:$0x0] =	sbarrier.arrive $0xFFFF;
	s29 =	sadd.s32 s5, s18  }
0x16: {  	[tilespmem:s3], [sflag:$0x2] =	stream.linear.gather [hbm4b:s29+s3], $0x80, $0x38;
	[tilespmem:$0x18100] =	vst v63  }
0x17: {  	_ =	swait.ge [sflag:s13], $0x80  }
0x18: {  	[sflag:s13] =	ssyncset.done $0x0  }
0x19: {  	s18 =	sadd.s32 s6, s18;
	[sflag:s13] =	ssyncadd.s32 $0xFFFFFF80  }
0x1a: {  	[tilespmem:s14], [sflag:$0x2] =	stream.linear.gather [hbm4b:s18+s3], $0x80, $0x38;
	[tilespmem:$0x18100] =	vst v63  }
0x1b: {  	_ =	swait.ge [sflag:s13], $0x80  }
0x1c: {  	[sflag:s13] =	ssyncset.done $0x0  }
0x1d: {  	[sflag:s13] =	ssyncadd.s32 $0xFFFFFF80  }
0x1e: {  	[tilespmem:s15], [sflag:$0x1] =	stream.indirect.gather [hbm4b:s4+s14], $0x80, s3, s14, $0xb8;
	[tilespmem:$0x18100] =	vst v63  }
0x1f: {  	_ =	swait.ge [sflag:s16], $0x4000  }
0x20: {  	s30 =	simm.s32 $0x80;
	[sflag:s16] =	ssyncset.done $0x0  }
0x21: {  	s31 =	sand.u32 $0x3C00, s30;
	[sflag:s16] =	ssyncadd.s32 $0xFFFFC000  }
0x22: {  	[spmem:s2] =	stream.indirect.scatter.add.f32 [tilespmem:s15], [sflag:$0x2], $0x80, s14, s14, $0xb8;
	[tilespmem:$0x18100] =	vst v63  }
0x23: {  	s20 =	sand.u32 $0x380, s30;
	s19 =	sadd.s32 s9, s31;
	_ =	swait.ge [sflag:s13], $0x4000  }
0x24: {  	s19 =	sor.u32 s20, s19;
	s18 =	simm.s32 $0x100;
	[sflag:s13] =	ssyncset.done $0x0  }
.LBB2_2:
0x25: {  	s19 =	sshrl.u32 s19, $0x3  }
0x26: {  	[sflag:s13] =	ssyncadd.s32 $0xFFFFC000;
	s20 =	smov.u32 s18;
	s21 =	sadd.s32 $0x80, s18  }
0x27: {  	p0 =	sne.s32 s18, $0x2700;
	s18 =	sadd.s32 s5, s19  }
0x28: {  	[tilespmem:s3], [sflag:$0x2] =	stream.linear.gather [hbm4b:s18+s3], $0x80, $0x38;
	[tilespmem:$0x18100] =	vst v63  }
0x29: {  	_ =	swait.ge [sflag:s13], $0x80  }
0x2a: {  	[sflag:s13] =	ssyncset.done $0x0  }
0x2b: {  	s18 =	sadd.s32 s6, s19;
	[sflag:s13] =	ssyncadd.s32 $0xFFFFFF80  }
0x2c: {  	[tilespmem:s14], [sflag:$0x2] =	stream.linear.gather [hbm4b:s18+s3], $0x80, $0x38;
	[tilespmem:$0x18100] =	vst v63  }
0x2d: {  	_ =	swait.ge [sflag:s13], $0x80  }
0x2e: {  	[sflag:s13] =	ssyncset.done $0x0  }
0x2f: {  	[sflag:s13] =	ssyncadd.s32 $0xFFFFFF80  }
0x30: {  	[tilespmem:s15], [sflag:$0x1] =	stream.indirect.gather [hbm4b:s4+s14], $0x80, s3, s14, $0xb8;
	[tilespmem:$0x18100] =	vst v63  }
0x31: {  	_ =	swait.ge [sflag:s16], $0x4000  }
.Ltmp0:
0x32: {  	[sflag:s16] =	ssyncset.done $0x0;
	(pc) =	sbr.rel @p0 .LBB2_2-.Ltmp0, $4  }
0x33: {  	s18 =	sand.u32 $0x3C00, s20;
	[sflag:s16] =	ssyncadd.s32 $0xFFFFC000  }
0x34: {  	[spmem:s2] =	stream.indirect.scatter.add.f32 [tilespmem:s15], [sflag:$0x2], $0x80, s14, s14, $0xb8;
	[tilespmem:$0x18100] =	vst v63  }
0x35: {  	s19 =	sand.u32 $0x380, s20;
	s18 =	sadd.s32 s9, s18;
	_ =	swait.ge [sflag:s13], $0x4000  }
0x36: {  	s19 =	sor.u32 s19, s18;
	s18 =	smov.u32 s21;
	[sflag:s13] =	ssyncset.done $0x0  }
0x37: {  	s18 =	sshrl.u32 s19, $0x3  }
0x38: {  	[sflag:s13] =	ssyncadd.s32 $0xFFFFC000;
	s19 =	sadd.s32 s5, s18  }
0x39: {  	[tilespmem:s3], [sflag:$0x2] =	stream.linear.gather [hbm4b:s19+s3], $0x80, $0x38;
	[tilespmem:$0x18100] =	vst v63  }
0x3a: {  	_ =	swait.ge [sflag:s13], $0x80  }
0x3b: {  	[sflag:s13] =	ssyncset.done $0x0  }
0x3c: {  	s18 =	sadd.s32 s6, s18;
	[sflag:s13] =	ssyncadd.s32 $0xFFFFFF80  }
0x3d: {  	[tilespmem:s14], [sflag:$0x2] =	stream.linear.gather [hbm4b:s18+s3], $0x80, $0x38;
	[tilespmem:$0x18100] =	vst v63  }
0x3e: {  	_ =	swait.ge [sflag:s13], $0x80  }
0x3f: {  	[sflag:s13] =	ssyncset.done $0x0  }
0x40: {  	[sflag:s13] =	ssyncadd.s32 $0xFFFFFF80  }
0x41: {  	[tilespmem:s15], [sflag:$0x1] =	stream.indirect.gather [hbm4b:s4+s14], $0x80, s3, s14, $0xb8;
	[tilespmem:$0x18100] =	vst v63  }
0x42: {  	_ =	swait.ge [sflag:s16], $0x4000  }
0x43: {  	[sflag:s16] =	ssyncset.done $0x0  }
0x44: {  	[sflag:s16] =	ssyncadd.s32 $0xFFFFC000  }
0x45: {  	[spmem:s2] =	stream.indirect.scatter.add.f32 [tilespmem:s15], [sflag:$0x2], $0x80, s14, s14, $0xb8;
	[tilespmem:$0x18100] =	vst v63  }
0x46: {  	_ =	swait.ge [sflag:s13], $0x4000  }
0x47: {  	s17 =	sadd.s32 $0x1, s17;
	[sflag:s13] =	ssyncset.done $0x0  }
0x48: {  	p0 =	sne.s32 s17, s11;
	[sflag:s13] =	ssyncadd.s32 $0xFFFFC000  }
.Ltmp1:
0x49: {  	[bflag:$0x0] =	sbarrier.arrive $0xFFFF;
	(pc) =	sbr.rel @p0 .LBB2_1-.Ltmp1, $4  }
0x4a: {  	[hbm:s10], [sflag:s8] =	dma.local [spmem:s12], $0x2800  }
0x4b: {  	_ =	swait.ge [sflag:s13], $0x2800  }
0x4c: {  	[sflag:s13] =	ssyncset.done $0x0  }
0x4d: {  	[sflag:s13] =	ssyncadd.s32 $0xFFFFD800  }
0x4e: {  	_ =	sfence.sel $0x180000  }
0x4f: {  	[bflag:$0x0] =	sbarrier.arrive $0xFFFF  }
0x50: {  	p0 =	sne.s32 s1, $0x0;
	_ =	strace $0x90000047  }
0x51: {  	s0 =	sadd.s32 @!p0 $0x100000, s0;
	[bflag:$0x2] =	sbarrier.arrive $0xFFFF  }
0x52: {  	[sflag:s0] =	ssyncadd.tile.s32 @!p0 $0x1;
	_ =	shalt  }
.Lfunc_end2:
_tile_overlayer_lowered:
.L_overlay_start_2:
0x53: {  	(tag) =	ssettag $0x2  }
0x54: {  	s0 =	rddreg [dreg:$0x0];
	s2 =	stileid.u32  }
0x55: {  	s1 =	rddreg [dreg:$0x1];
	p0 =	sne.s32 s2, $0x0  }
0x56: {  	s3 =	rddreg [dreg:$0x2];
	[bflag:$0x3] =	sbarrier.arrive $0xFFFF;
	s2 =	simm.s32 @!p0 $0x1C02  }
0x57: {  	[timem:s3], [sflag:s2] =	dma.local @!p0 [hbm:s0], s1  }
0x58: {  	s0 =	simm.s32 @!p0 $0x2  }
0x59: {  	_ =	swait.ge @!p0 [sflag:s0], s1  }
0x5a: {  	s1 =	ssub.s32 @!p0 $0x0, s1;
	[sflag:s0] =	ssyncset.done @!p0 $0x0  }
0x5b: {  	[sflag:s0] =	ssyncadd.s32 @!p0 s1  }
0x5c: {  	[bflag:$0x3] =	sbarrier.arrive $0xFFFF  }
0x5d: {  	_ =	shalt  }

</sc_bundles>
